<compile_context>
chip_gen: v7x
topology: tpu7x:2x2x1
jax: 0.10.2.dev20260603
libtpu: 0.0.44.dev20260713+nightly
codegen_flags: <defaults>
</compile_context>

<pallas_src>
import functools

import jax
import jax.numpy as jnp
from jax import lax
from jax.experimental import pallas as pl
from jax.experimental.pallas import tpu as pltpu
from jax.experimental.pallas import tpu_sc as plsc

B = 64
PATCH = 16
IN_CHANS = 3
EMBED = 768
NUM_PATCHES = 1024
N_VIS = 256
N_MASK = 768
ROWS = 1 + NUM_PATCHES

NC = 2
NS = 16
NW = NC * NS
RSPAN = NUM_PATCHES // NW
NLANE = EMBED // 16
HB = B // 2
LAG = 6

GRAY = 127.0 / 255.0


def _body(x_hbm, samp_hbm, mask_hbm, w_hbm, b_hbm, out_hbm,
          samp_v, mask_v, code_s, wrow_v, b_v,
          cbuf, zbuf, xb0, xb1, sem_w, sem_x, sem_g):
    wid = lax.axis_index("s") * NC + lax.axis_index("c")
    r0 = wid * RSPAN

    pltpu.sync_copy(samp_hbm, samp_v)
    pltpu.sync_copy(mask_hbm, mask_v)
    pltpu.sync_copy(w_hbm, wrow_v)
    pltpu.sync_copy(b_hbm.at[pl.ds(0, 16)], b_v)

    def sum_step(i, acc):
        return acc + wrow_v[pl.ds(i * 16, 16)]
    acc = lax.fori_loop(0, NLANE, sum_step, jnp.zeros((16,), jnp.float32))
    tot = acc[0]
    for i in range(1, 16):
        tot = tot + acc[i]
    s = tot * jnp.float32(GRAY) + b_v[...][0]
    vs = jnp.full((16,), s, dtype=jnp.float32)
    vz = jnp.zeros((16,), jnp.float32)

    def init_step(t, _):
        code_s[t] = jnp.int32(-1)
        return 0
    lax.fori_loop(0, ROWS, init_step, 0)

    code_s[0] = jnp.int32(0)

    def samp_step(g, _):
        v = samp_v[pl.ds(g * 16, 16)]
        for i in range(16):
            code_s[v[i]] = g * 16 + i + 1
        return 0
    lax.fori_loop(0, N_VIS // 16, samp_step, 0)

    def mask_step(g, _):
        v = mask_v[pl.ds(g * 16, 16)]
        for i in range(16):
            code_s[v[i]] = jnp.int32(-2)
        return 0
    lax.fori_loop(0, N_MASK // 16, mask_step, 0)

    def fill_row(row, _):
        def fill_col(col, _):
            cbuf[row, pl.ds(col * 16, 16)] = vs
            zbuf[row, pl.ds(col * 16, 16)] = vz
            return 0
        lax.fori_loop(0, NLANE, fill_col, 0)
        return 0
    lax.fori_loop(0, HB, fill_row, 0)

    def wdesc(buf, r, h, sem):
        return pltpu.make_async_copy(
            buf, out_hbm.at[r, pl.ds(h * HB, HB), :], sem)

    def gdesc(cc, h, buf):
        return pltpu.make_async_copy(
            x_hbm.at[cc, pl.ds(h * HB, HB), :], buf, sem_x)

    def fire_bg(r, c):
        @pl.when(c == -2)
        def _():
            wdesc(cbuf, r, 0, sem_w).start()
            wdesc(cbuf, r, 1, sem_w).start()

        @pl.when(c == -1)
        def _():
            wdesc(zbuf, r, 0, sem_w).start()
            wdesc(zbuf, r, 1, sem_w).start()

    def wait_bg(r, c):
        @pl.when(c == -2)
        def _():
            wdesc(cbuf, r, 0, sem_w).wait()
            wdesc(cbuf, r, 1, sem_w).wait()

        @pl.when(c == -1)
        def _():
            wdesc(zbuf, r, 0, sem_w).wait()
            wdesc(zbuf, r, 1, sem_w).wait()

    def slab_step(k, pxr):
        r = r0 + k
        c = code_s[r]

        @pl.when(k >= LAG)
        def _():
            rp = r - LAG
            wait_bg(rp, code_s[rp])

        fire_bg(r, c)

        @pl.when(c >= 0)
        def _():
            @pl.when(pxr >= 0)
            def _():
                wdesc(xb0, pxr, 0, sem_x).wait()
                wdesc(xb1, pxr, 1, sem_x).wait()
            gdesc(c, 0, xb0).start()
            gdesc(c, 1, xb1).start()
            gdesc(c, 0, xb0).wait()
            gdesc(c, 1, xb1).wait()
            wdesc(xb0, r, 0, sem_x).start()
            wdesc(xb1, r, 1, sem_x).start()
        return jnp.where(c >= 0, r, pxr)

    pxr = lax.fori_loop(0, RSPAN, slab_step, jnp.int32(-1))

    for i in range(LAG):
        rp = r0 + RSPAN - LAG + i
        wait_bg(rp, code_s[rp])

    @pl.when(pxr >= 0)
    def _():
        wdesc(xb0, pxr, 0, sem_x).wait()
        wdesc(xb1, pxr, 1, sem_x).wait()

    @pl.when(wid == 0)
    def _():
        cl = code_s[NUM_PATCHES]

        @pl.when(cl == -2)
        def _():
            pltpu.sync_copy(cbuf, out_hbm.at[NUM_PATCHES, pl.ds(0, HB), :])
            pltpu.sync_copy(cbuf, out_hbm.at[NUM_PATCHES, pl.ds(HB, HB), :])

        @pl.when(cl == -1)
        def _():
            pltpu.sync_copy(zbuf, out_hbm.at[NUM_PATCHES, pl.ds(0, HB), :])
            pltpu.sync_copy(zbuf, out_hbm.at[NUM_PATCHES, pl.ds(HB, HB), :])

        @pl.when(cl >= 0)
        def _():
            pltpu.sync_copy(x_hbm.at[cl, pl.ds(0, HB), :], xb0)
            pltpu.sync_copy(x_hbm.at[cl, pl.ds(HB, HB), :], xb1)
            pltpu.sync_copy(xb0, out_hbm.at[NUM_PATCHES, pl.ds(0, HB), :])
            pltpu.sync_copy(xb1, out_hbm.at[NUM_PATCHES, pl.ds(HB, HB), :])


@functools.partial(jax.jit, static_argnames=())
def kernel(x, sample_index, mask_index, W, b):
    x_t = jnp.transpose(x, (1, 0, 2))
    wrow = W[0].reshape(IN_CHANS * PATCH * PATCH)
    run = pl.kernel(
        _body,
        mesh=plsc.VectorSubcoreMesh(core_axis_name="c", subcore_axis_name="s"),
        out_type=jax.ShapeDtypeStruct((ROWS, B, EMBED), jnp.float32),
        compiler_params=pltpu.CompilerParams(use_tc_tiling_on_sc=True),
        scratch_types=[
            pltpu.VMEM((N_VIS,), jnp.int32),
            pltpu.VMEM((N_MASK,), jnp.int32),
            pltpu.SMEM((ROWS,), jnp.int32),
            pltpu.VMEM((EMBED,), jnp.float32),
            pltpu.VMEM((16,), jnp.float32),
            pltpu.VMEM((HB, EMBED), jnp.float32),
            pltpu.VMEM((HB, EMBED), jnp.float32),
            pltpu.VMEM((HB, EMBED), jnp.float32),
            pltpu.VMEM((HB, EMBED), jnp.float32),
            pltpu.SemaphoreType.DMA,
            pltpu.SemaphoreType.DMA,
            pltpu.SemaphoreType.DMA,
        ],
    )
    out_t = run(x_t, sample_index, mask_index, wrow, b)
    return jnp.transpose(out_t, (1, 0, 2))

# --- scband reference (transcript-rebuilt; emitter-appended) ---
"""Pipeline reference for scband-un-mask-embeeding-spa-17154099380884 (READ-ONLY COPY).

The authoritative reference and input builder live on the scoring server;
editing this copy changes nothing except your own understanding.
"""

import jax, jax.numpy as jnp
import numpy as np

B = 64
INPUT = 512
PATCH = 16
IN_CHANS = 3
EMBED = 768
NUM_PATCHES = 1024
N_VIS = 256
N_MASK = 768


def setup_inputs(seed: int = 0):
    key = jax.random.key(seed)
    k1, k2, k3, k4 = jax.random.split(key, 4)
    x = jax.random.normal(k1, (B, 1 + N_VIS, EMBED), dtype=jnp.float32)
    sample_index = jax.random.randint(k2, (N_VIS,), 0, 1 + NUM_PATCHES, dtype=jnp.int32)
    mask_index = jax.random.randint(k3, (N_MASK,), 0, 1 + NUM_PATCHES, dtype=jnp.int32)
    W = jax.random.normal(k4, (EMBED, IN_CHANS, PATCH, PATCH), dtype=jnp.float32) * 0.02
    b = jnp.zeros((EMBED,), dtype=jnp.float32)
    return {"x": x, "sample_index": sample_index, "mask_index": mask_index, "W": W, "b": b}


def reference(x, sample_index, mask_index, W, b):
    # raw_inputs is a constant gray image expanded over batch; since every batch
    # element is identical and only element [0, 0, :] of the reshaped conv output
    # is used, computing the conv on a single image is mathematically identical.
    raw = jnp.ones((1, IN_CHANS, INPUT, INPUT), dtype=jnp.float32) * (127.0 / 255.0)
    emb = jax.lax.conv_general_dilated(
        raw, W, window_strides=(PATCH, PATCH), padding="VALID",
        dimension_numbers=("NCHW", "OIHW", "NCHW"))
    emb = emb + b[None, :, None, None]
    bb, c, h, w = emb.shape
    # faithful to torch: embeeding.view(b, -1, c)[0, 0, :] (raw row-major reshape)
    patch_embeeding = jnp.reshape(emb, (bb, -1, c))[0, 0, :]
    dec = jnp.zeros((B, 1 + NUM_PATCHES, EMBED), dtype=jnp.float32)
    idx1 = jnp.concatenate([jnp.zeros((1,), dtype=sample_index.dtype), sample_index])
    dec = dec.at[:, idx1, :].set(x)
    dec = dec.at[:, mask_index, :].set(
        jnp.broadcast_to(patch_embeeding[None, None, :], (B, N_MASK, EMBED)))
    return dec

if __name__ == "__main__":
    import jax
    _d = setup_inputs()
    print(jax.jit(kernel)(*tuple(_d.values())))

</pallas_src>

<mosaic_0001>
#map = affine_map<(d0, d1) -> (0, 0, 0)>
#map1 = affine_map<(d0, d1) -> (0)>
module attributes {stable_mosaic.version = 14 : i64} {
  func.func @_body(%arg0: i32, %arg1: i32, %arg2: memref<257x64x768xf32, #tpu.memory_space<hbm>>, %arg3: memref<256xi32, #tpu.memory_space<hbm>>, %arg4: memref<768xi32, #tpu.memory_space<hbm>>, %arg5: memref<768xf32, #tpu.memory_space<hbm>>, %arg6: memref<768xf32, #tpu.memory_space<hbm>>, %arg7: memref<1025x64x768xf32, #tpu.memory_space<hbm>>, %arg8: memref<256xi32, #tpu.memory_space<vmem>>, %arg9: memref<768xi32, #tpu.memory_space<vmem>>, %arg10: memref<1025xi32, #tpu.memory_space<smem>>, %arg11: memref<768xf32, #tpu.memory_space<vmem>>, %arg12: memref<16xf32, #tpu.memory_space<vmem>>, %arg13: memref<32x768xf32, #tpu.memory_space<vmem>>, %arg14: memref<32x768xf32, #tpu.memory_space<vmem>>, %arg15: memref<32x768xf32, #tpu.memory_space<vmem>>, %arg16: memref<32x768xf32, #tpu.memory_space<vmem>>, %arg17: memref<!tpu.dma_semaphore, #tpu.memory_space<semaphore_mem>>, %arg18: memref<!tpu.dma_semaphore, #tpu.memory_space<semaphore_mem>>, %arg19: memref<!tpu.dma_semaphore, #tpu.memory_space<semaphore_mem>>) attributes {dimension_semantics = [#tpu.dimension_semantics<core_parallel>, #tpu.dimension_semantics<subcore_parallel>], iteration_bounds = array<i64: 2, 16>, scalar_prefetch = 0 : i64, scratch_operands = 12 : i64, tpu.core_type = #tpu.core_type<sc_vector_subcore>, window_params = [{transform_indices = #map}, {transform_indices = #map1}, {transform_indices = #map1}, {transform_indices = #map1}, {transform_indices = #map1}, {transform_indices = #map}]} {
    %mul3A = arith.constant 2 : i32
    %mul3A_0 = arith.muli %arg1, %mul3A : i32
    %add3A = arith.addi %mul3A_0, %arg0 : i32
    %mul3A_1 = arith.constant 32 : i32
    %mul3A_2 = arith.muli %add3A, %mul3A_1 : i32
    "tpu.region"() ({
      %run_scoped3A = tpu.sem_alloc : memref<!tpu.dma_semaphore, #tpu.memory_space<semaphore_mem>>
      tpu.enqueue_dma source(%arg3 : memref<256xi32, #tpu.memory_space<hbm>>) target(%arg8 : memref<256xi32, #tpu.memory_space<vmem>>) target_semaphore(%run_scoped3A : memref<!tpu.dma_semaphore, #tpu.memory_space<semaphore_mem>>)
      tpu.wait_dma2 semaphore(%run_scoped3A : memref<!tpu.dma_semaphore, #tpu.memory_space<semaphore_mem>>) src(%arg3 : memref<256xi32, #tpu.memory_space<hbm>>) dst(%arg8 : memref<256xi32, #tpu.memory_space<vmem>>)
      tpu.yield
    }) : () -> ()
    "tpu.region"() ({
      %run_scoped3A = tpu.sem_alloc : memref<!tpu.dma_semaphore, #tpu.memory_space<semaphore_mem>>
      tpu.enqueue_dma source(%arg4 : memref<768xi32, #tpu.memory_space<hbm>>) target(%arg9 : memref<768xi32, #tpu.memory_space<vmem>>) target_semaphore(%run_scoped3A : memref<!tpu.dma_semaphore, #tpu.memory_space<semaphore_mem>>)
      tpu.wait_dma2 semaphore(%run_scoped3A : memref<!tpu.dma_semaphore, #tpu.memory_space<semaphore_mem>>) src(%arg4 : memref<768xi32, #tpu.memory_space<hbm>>) dst(%arg9 : memref<768xi32, #tpu.memory_space<vmem>>)
      tpu.yield
    }) : () -> ()
    "tpu.region"() ({
      %run_scoped3A = tpu.sem_alloc : memref<!tpu.dma_semaphore, #tpu.memory_space<semaphore_mem>>
      tpu.enqueue_dma source(%arg5 : memref<768xf32, #tpu.memory_space<hbm>>) target(%arg11 : memref<768xf32, #tpu.memory_space<vmem>>) target_semaphore(%run_scoped3A : memref<!tpu.dma_semaphore, #tpu.memory_space<semaphore_mem>>)
      tpu.wait_dma2 semaphore(%run_scoped3A : memref<!tpu.dma_semaphore, #tpu.memory_space<semaphore_mem>>) src(%arg5 : memref<768xf32, #tpu.memory_space<hbm>>) dst(%arg11 : memref<768xf32, #tpu.memory_space<vmem>>)
      tpu.yield
    }) : () -> ()
    "tpu.region"() ({
      %run_scoped3A = tpu.sem_alloc : memref<!tpu.dma_semaphore, #tpu.memory_space<semaphore_mem>>
      %dma_start3A = arith.constant 0 : i32
      %dma_start3A_215 = tpu.memref_slice %arg6[%dma_start3A] : memref<768xf32, #tpu.memory_space<hbm>> -> memref<16xf32, #tpu.memory_space<hbm>>
      %dma_start3A_216 = arith.constant 0 : i32
      %dma_start3A_217 = tpu.memref_slice %arg6[%dma_start3A_216] : memref<768xf32, #tpu.memory_space<hbm>> -> memref<16xf32, #tpu.memory_space<hbm>>
      tpu.enqueue_dma source(%dma_start3A_217 : memref<16xf32, #tpu.memory_space<hbm>>) target(%arg12 : memref<16xf32, #tpu.memory_space<vmem>>) target_semaphore(%run_scoped3A : memref<!tpu.dma_semaphore, #tpu.memory_space<semaphore_mem>>)
      %dma_wait3A = arith.constant 0 : i32
      %dma_wait3A_218 = tpu.memref_slice %arg6[%dma_wait3A] : memref<768xf32, #tpu.memory_space<hbm>> -> memref<16xf32, #tpu.memory_space<hbm>>
      %dma_wait3A_219 = arith.constant 0 : i32
      %dma_wait3A_220 = tpu.memref_slice %arg6[%dma_wait3A_219] : memref<768xf32, #tpu.memory_space<hbm>> -> memref<16xf32, #tpu.memory_space<hbm>>
      tpu.wait_dma2 semaphore(%run_scoped3A : memref<!tpu.dma_semaphore, #tpu.memory_space<semaphore_mem>>) src(%dma_wait3A_220 : memref<16xf32, #tpu.memory_space<hbm>>) dst(%arg12 : memref<16xf32, #tpu.memory_space<vmem>>)
      tpu.yield
    }) : () -> ()
    %broadcast_in_dim3A = arith.constant 0.000000e+00 : f32
    %broadcast_in_dim3A_3 = vector.broadcast %broadcast_in_dim3A : f32 to vector<16xf32>
    %scan3A = arith.constant 0 : i32
    %scan3A_4 = arith.constant 48 : i32
    %scan3A_5 = arith.addi %scan3A, %scan3A_4 : i32
    %scan3A_6 = arith.constant 1 : i32
    %scan3A_7 = scf.for %scan3A_215 = %scan3A to %scan3A_5 step %scan3A_6 iter_args(%scan3A_216 = %broadcast_in_dim3A_3) -> (vector<16xf32>)  : i32 {
      %mul3A_217 = arith.constant 16 : i32
      %mul3A_218 = arith.muli %scan3A_215, %mul3A_217 : i32
      %get3A_219 = arith.index_cast %mul3A_218 : i32 to index
      %get3A_220 = tpu.vector_load %arg11[%get3A_219] {strides = array<i32>} : memref<768xf32, #tpu.memory_space<vmem>>, vector<16xf32>,
      %get3A_221 = vector.shape_cast %get3A_220 : vector<16xf32> to vector<16xf32>
      %add3A_222 = arith.addf %scan3A_216, %get3A_221 : vector<16xf32>
      scf.yield %add3A_222 : vector<16xf32>
    }
    %scan3A_8 = arith.constant 48 : i32
    %slice3A = vector.extract_strided_slice %scan3A_7 {offsets = [0], sizes = [1], strides = [1]} : vector<16xf32> to vector<1xf32>
    %squeeze3A = vector.extract %slice3A[0] : f32 from vector<1xf32>
    %slice3A_9 = vector.extract_strided_slice %scan3A_7 {offsets = [1], sizes = [1], strides = [1]} : vector<16xf32> to vector<1xf32>
    %squeeze3A_10 = vector.extract %slice3A_9[0] : f32 from vector<1xf32>
    %add3A_11 = arith.addf %squeeze3A, %squeeze3A_10 : f32
    %slice3A_12 = vector.extract_strided_slice %scan3A_7 {offsets = [2], sizes = [1], strides = [1]} : vector<16xf32> to vector<1xf32>
    %squeeze3A_13 = vector.extract %slice3A_12[0] : f32 from vector<1xf32>
    %add3A_14 = arith.addf %add3A_11, %squeeze3A_13 : f32
    %slice3A_15 = vector.extract_strided_slice %scan3A_7 {offsets = [3], sizes = [1], strides = [1]} : vector<16xf32> to vector<1xf32>
    %squeeze3A_16 = vector.extract %slice3A_15[0] : f32 from vector<1xf32>
    %add3A_17 = arith.addf %add3A_14, %squeeze3A_16 : f32
    %slice3A_18 = vector.extract_strided_slice %scan3A_7 {offsets = [4], sizes = [1], strides = [1]} : vector<16xf32> to vector<1xf32>
    %squeeze3A_19 = vector.extract %slice3A_18[0] : f32 from vector<1xf32>
    %add3A_20 = arith.addf %add3A_17, %squeeze3A_19 : f32
    %slice3A_21 = vector.extract_strided_slice %scan3A_7 {offsets = [5], sizes = [1], strides = [1]} : vector<16xf32> to vector<1xf32>
    %squeeze3A_22 = vector.extract %slice3A_21[0] : f32 from vector<1xf32>
    %add3A_23 = arith.addf %add3A_20, %squeeze3A_22 : f32
    %slice3A_24 = vector.extract_strided_slice %scan3A_7 {offsets = [6], sizes = [1], strides = [1]} : vector<16xf32> to vector<1xf32>
    %squeeze3A_25 = vector.extract %slice3A_24[0] : f32 from vector<1xf32>
    %add3A_26 = arith.addf %add3A_23, %squeeze3A_25 : f32
    %slice3A_27 = vector.extract_strided_slice %scan3A_7 {offsets = [7], sizes = [1], strides = [1]} : vector<16xf32> to vector<1xf32>
    %squeeze3A_28 = vector.extract %slice3A_27[0] : f32 from vector<1xf32>
    %add3A_29 = arith.addf %add3A_26, %squeeze3A_28 : f32
    %slice3A_30 = vector.extract_strided_slice %scan3A_7 {offsets = [8], sizes = [1], strides = [1]} : vector<16xf32> to vector<1xf32>
    %squeeze3A_31 = vector.extract %slice3A_30[0] : f32 from vector<1xf32>
    %add3A_32 = arith.addf %add3A_29, %squeeze3A_31 : f32
    %slice3A_33 = vector.extract_strided_slice %scan3A_7 {offsets = [9], sizes = [1], strides = [1]} : vector<16xf32> to vector<1xf32>
    %squeeze3A_34 = vector.extract %slice3A_33[0] : f32 from vector<1xf32>
    %add3A_35 = arith.addf %add3A_32, %squeeze3A_34 : f32
    %slice3A_36 = vector.extract_strided_slice %scan3A_7 {offsets = [10], sizes = [1], strides = [1]} : vector<16xf32> to vector<1xf32>
    %squeeze3A_37 = vector.extract %slice3A_36[0] : f32 from vector<1xf32>
    %add3A_38 = arith.addf %add3A_35, %squeeze3A_37 : f32
    %slice3A_39 = vector.extract_strided_slice %scan3A_7 {offsets = [11], sizes = [1], strides = [1]} : vector<16xf32> to vector<1xf32>
    %squeeze3A_40 = vector.extract %slice3A_39[0] : f32 from vector<1xf32>
    %add3A_41 = arith.addf %add3A_38, %squeeze3A_40 : f32
    %slice3A_42 = vector.extract_strided_slice %scan3A_7 {offsets = [12], sizes = [1], strides = [1]} : vector<16xf32> to vector<1xf32>
    %squeeze3A_43 = vector.extract %slice3A_42[0] : f32 from vector<1xf32>
    %add3A_44 = arith.addf %add3A_41, %squeeze3A_43 : f32
    %slice3A_45 = vector.extract_strided_slice %scan3A_7 {offsets = [13], sizes = [1], strides = [1]} : vector<16xf32> to vector<1xf32>
    %squeeze3A_46 = vector.extract %slice3A_45[0] : f32 from vector<1xf32>
    %add3A_47 = arith.addf %add3A_44, %squeeze3A_46 : f32
    %slice3A_48 = vector.extract_strided_slice %scan3A_7 {offsets = [14], sizes = [1], strides = [1]} : vector<16xf32> to vector<1xf32>
    %squeeze3A_49 = vector.extract %slice3A_48[0] : f32 from vector<1xf32>
    %add3A_50 = arith.addf %add3A_47, %squeeze3A_49 : f32
    %slice3A_51 = vector.extract_strided_slice %scan3A_7 {offsets = [15], sizes = [1], strides = [1]} : vector<16xf32> to vector<1xf32>
    %squeeze3A_52 = vector.extract %slice3A_51[0] : f32 from vector<1xf32>
    %add3A_53 = arith.addf %add3A_50, %squeeze3A_52 : f32
    %mul3A_54 = arith.constant 0.498039216 : f32
    %mul3A_55 = arith.mulf %add3A_53, %mul3A_54 : f32
    %get3A = arith.constant 0 : index
    %get3A_56 = tpu.vector_load %arg12[%get3A] {strides = array<i32>} : memref<16xf32, #tpu.memory_space<vmem>>, vector<16xf32>,
    %get3A_57 = vector.shape_cast %get3A_56 : vector<16xf32> to vector<16xf32>
    %slice3A_58 = vector.extract_strided_slice %get3A_57 {offsets = [0], sizes = [1], strides = [1]} : vector<16xf32> to vector<1xf32>
    %squeeze3A_59 = vector.extract %slice3A_58[0] : f32 from vector<1xf32>
    %add3A_60 = arith.addf %mul3A_55, %squeeze3A_59 : f32
    %broadcast_in_dim3A_61 = vector.broadcast %add3A_60 : f32 to vector<16xf32>
    %broadcast_in_dim3A_62 = arith.constant 0.000000e+00 : f32
    %broadcast_in_dim3A_63 = vector.broadcast %broadcast_in_dim3A_62 : f32 to vector<16xf32>
    %scan3A_64 = arith.constant 0 : i32
    %scan3A_65 = arith.constant 0 : i32
    %scan3A_66 = arith.constant 1025 : i32
    %scan3A_67 = arith.addi %scan3A_65, %scan3A_66 : i32
    %scan3A_68 = arith.constant 1 : i32
    %scan3A_69 = scf.for %scan3A_215 = %scan3A_65 to %scan3A_67 step %scan3A_68 iter_args(%scan3A_216 = %scan3A_64) -> (i32)  : i32 {
      %swap3A_217 = arith.constant -1 : i32
      %swap3A_218 = arith.index_cast %scan3A_215 : i32 to index
      %swap3A_219 = memref.load %arg10[%swap3A_218] : memref<1025xi32, #tpu.memory_space<smem>>
      memref.store %swap3A_217, %arg10[%swap3A_218] : memref<1025xi32, #tpu.memory_space<smem>>
      %scan3A_220 = arith.constant 0 : i32
      scf.yield %scan3A_220 : i32
    }
    %scan3A_70 = arith.constant 1025 : i32
    %swap3A = arith.constant 0 : i32
    %swap3A_71 = arith.constant 0 : i32
    %swap3A_72 = arith.index_cast %swap3A_71 : i32 to index
    %swap3A_73 = memref.load %arg10[%swap3A_72] : memref<1025xi32, #tpu.memory_space<smem>>
    memref.store %swap3A, %arg10[%swap3A_72] : memref<1025xi32, #tpu.memory_space<smem>>
    %scan3A_74 = arith.constant 0 : i32
    %scan3A_75 = arith.constant 0 : i32
    %scan3A_76 = arith.constant 16 : i32
    %scan3A_77 = arith.addi %scan3A_75, %scan3A_76 : i32
    %scan3A_78 = arith.constant 1 : i32
    %scan3A_79 = scf.for %scan3A_215 = %scan3A_75 to %scan3A_77 step %scan3A_78 iter_args(%scan3A_216 = %scan3A_74) -> (i32)  : i32 {
      %mul3A_217 = arith.constant 16 : i32
      %mul3A_218 = arith.muli %scan3A_215, %mul3A_217 : i32
      %get3A_219 = arith.index_cast %mul3A_218 : i32 to index
      %get3A_220 = tpu.vector_load %arg8[%get3A_219] {strides = array<i32>} : memref<256xi32, #tpu.memory_space<vmem>>, vector<16xi32>,
      %get3A_221 = vector.shape_cast %get3A_220 : vector<16xi32> to vector<16xi32>
      %mul3A_222 = arith.constant 16 : i32
      %mul3A_223 = arith.muli %scan3A_215, %mul3A_222 : i32
      %add3A_224 = arith.constant 0 : i32
      %add3A_225 = arith.addi %mul3A_223, %add3A_224 : i32
      %add3A_226 = arith.constant 1 : i32
      %add3A_227 = arith.addi %add3A_225, %add3A_226 : i32
      %slice3A_228 = vector.extract_strided_slice %get3A_221 {offsets = [0], sizes = [1], strides = [1]} : vector<16xi32> to vector<1xi32>
      %squeeze3A_229 = vector.extract %slice3A_228[0] : i32 from vector<1xi32>
      %swap3A_230 = arith.index_cast %squeeze3A_229 : i32 to index
      %swap3A_231 = memref.load %arg10[%swap3A_230] : memref<1025xi32, #tpu.memory_space<smem>>
      memref.store %add3A_227, %arg10[%swap3A_230] : memref<1025xi32, #tpu.memory_space<smem>>
      %mul3A_232 = arith.constant 16 : i32
      %mul3A_233 = arith.muli %scan3A_215, %mul3A_232 : i32
      %add3A_234 = arith.constant 1 : i32
      %add3A_235 = arith.addi %mul3A_233, %add3A_234 : i32
      %add3A_236 = arith.constant 1 : i32
      %add3A_237 = arith.addi %add3A_235, %add3A_236 : i32
      %slice3A_238 = vector.extract_strided_slice %get3A_221 {offsets = [1], sizes = [1], strides = [1]} : vector<16xi32> to vector<1xi32>
      %squeeze3A_239 = vector.extract %slice3A_238[0] : i32 from vector<1xi32>
      %swap3A_240 = arith.index_cast %squeeze3A_239 : i32 to index
      %swap3A_241 = memref.load %arg10[%swap3A_240] : memref<1025xi32, #tpu.memory_space<smem>>
      memref.store %add3A_237, %arg10[%swap3A_240] : memref<1025xi32, #tpu.memory_space<smem>>
      %mul3A_242 = arith.constant 16 : i32
      %mul3A_243 = arith.muli %scan3A_215, %mul3A_242 : i32
      %add3A_244 = arith.constant 2 : i32
      %add3A_245 = arith.addi %mul3A_243, %add3A_244 : i32
      %add3A_246 = arith.constant 1 : i32
      %add3A_247 = arith.addi %add3A_245, %add3A_246 : i32
      %slice3A_248 = vector.extract_strided_slice %get3A_221 {offsets = [2], sizes = [1], strides = [1]} : vector<16xi32> to vector<1xi32>
      %squeeze3A_249 = vector.extract %slice3A_248[0] : i32 from vector<1xi32>
      %swap3A_250 = arith.index_cast %squeeze3A_249 : i32 to index
      %swap3A_251 = memref.load %arg10[%swap3A_250] : memref<1025xi32, #tpu.memory_space<smem>>
      memref.store %add3A_247, %arg10[%swap3A_250] : memref<1025xi32, #tpu.memory_space<smem>>
      %mul3A_252 = arith.constant 16 : i32
      %mul3A_253 = arith.muli %scan3A_215, %mul3A_252 : i32
      %add3A_254 = arith.constant 3 : i32
      %add3A_255 = arith.addi %mul3A_253, %add3A_254 : i32
      %add3A_256 = arith.constant 1 : i32
      %add3A_257 = arith.addi %add3A_255, %add3A_256 : i32
      %slice3A_258 = vector.extract_strided_slice %get3A_221 {offsets = [3], sizes = [1], strides = [1]} : vector<16xi32> to vector<1xi32>
      %squeeze3A_259 = vector.extract %slice3A_258[0] : i32 from vector<1xi32>
      %swap3A_260 = arith.index_cast %squeeze3A_259 : i32 to index
      %swap3A_261 = memref.load %arg10[%swap3A_260] : memref<1025xi32, #tpu.memory_space<smem>>
      memref.store %add3A_257, %arg10[%swap3A_260] : memref<1025xi32, #tpu.memory_space<smem>>
      %mul3A_262 = arith.constant 16 : i32
      %mul3A_263 = arith.muli %scan3A_215, %mul3A_262 : i32
      %add3A_264 = arith.constant 4 : i32
      %add3A_265 = arith.addi %mul3A_263, %add3A_264 : i32
      %add3A_266 = arith.constant 1 : i32
      %add3A_267 = arith.addi %add3A_265, %add3A_266 : i32
      %slice3A_268 = vector.extract_strided_slice %get3A_221 {offsets = [4], sizes = [1], strides = [1]} : vector<16xi32> to vector<1xi32>
      %squeeze3A_269 = vector.extract %slice3A_268[0] : i32 from vector<1xi32>
      %swap3A_270 = arith.index_cast %squeeze3A_269 : i32 to index
      %swap3A_271 = memref.load %arg10[%swap3A_270] : memref<1025xi32, #tpu.memory_space<smem>>
      memref.store %add3A_267, %arg10[%swap3A_270] : memref<1025xi32, #tpu.memory_space<smem>>
      %mul3A_272 = arith.constant 16 : i32
      %mul3A_273 = arith.muli %scan3A_215, %mul3A_272 : i32
      %add3A_274 = arith.constant 5 : i32
      %add3A_275 = arith.addi %mul3A_273, %add3A_274 : i32
      %add3A_276 = arith.constant 1 : i32
      %add3A_277 = arith.addi %add3A_275, %add3A_276 : i32
      %slice3A_278 = vector.extract_strided_slice %get3A_221 {offsets = [5], sizes = [1], strides = [1]} : vector<16xi32> to vector<1xi32>
      %squeeze3A_279 = vector.extract %slice3A_278[0] : i32 from vector<1xi32>
      %swap3A_280 = arith.index_cast %squeeze3A_279 : i32 to index
      %swap3A_281 = memref.load %arg10[%swap3A_280] : memref<1025xi32, #tpu.memory_space<smem>>
      memref.store %add3A_277, %arg10[%swap3A_280] : memref<1025xi32, #tpu.memory_space<smem>>
      %mul3A_282 = arith.constant 16 : i32
      %mul3A_283 = arith.muli %scan3A_215, %mul3A_282 : i32
      %add3A_284 = arith.constant 6 : i32
      %add3A_285 = arith.addi %mul3A_283, %add3A_284 : i32
      %add3A_286 = arith.constant 1 : i32
      %add3A_287 = arith.addi %add3A_285, %add3A_286 : i32
      %slice3A_288 = vector.extract_strided_slice %get3A_221 {offsets = [6], sizes = [1], strides = [1]} : vector<16xi32> to vector<1xi32>
      %squeeze3A_289 = vector.extract %slice3A_288[0] : i32 from vector<1xi32>
      %swap3A_290 = arith.index_cast %squeeze3A_289 : i32 to index
      %swap3A_291 = memref.load %arg10[%swap3A_290] : memref<1025xi32, #tpu.memory_space<smem>>
      memref.store %add3A_287, %arg10[%swap3A_290] : memref<1025xi32, #tpu.memory_space<smem>>
      %mul3A_292 = arith.constant 16 : i32
      %mul3A_293 = arith.muli %scan3A_215, %mul3A_292 : i32
      %add3A_294 = arith.constant 7 : i32
      %add3A_295 = arith.addi %mul3A_293, %add3A_294 : i32
      %add3A_296 = arith.constant 1 : i32
      %add3A_297 = arith.addi %add3A_295, %add3A_296 : i32
      %slice3A_298 = vector.extract_strided_slice %get3A_221 {offsets = [7], sizes = [1], strides = [1]} : vector<16xi32> to vector<1xi32>
      %squeeze3A_299 = vector.extract %slice3A_298[0] : i32 from vector<1xi32>
      %swap3A_300 = arith.index_cast %squeeze3A_299 : i32 to index
      %swap3A_301 = memref.load %arg10[%swap3A_300] : memref<1025xi32, #tpu.memory_space<smem>>
      memref.store %add3A_297, %arg10[%swap3A_300] : memref<1025xi32, #tpu.memory_space<smem>>
      %mul3A_302 = arith.constant 16 : i32
      %mul3A_303 = arith.muli %scan3A_215, %mul3A_302 : i32
      %add3A_304 = arith.constant 8 : i32
      %add3A_305 = arith.addi %mul3A_303, %add3A_304 : i32
      %add3A_306 = arith.constant 1 : i32
      %add3A_307 = arith.addi %add3A_305, %add3A_306 : i32
      %slice3A_308 = vector.extract_strided_slice %get3A_221 {offsets = [8], sizes = [1], strides = [1]} : vector<16xi32> to vector<1xi32>
      %squeeze3A_309 = vector.extract %slice3A_308[0] : i32 from vector<1xi32>
      %swap3A_310 = arith.index_cast %squeeze3A_309 : i32 to index
      %swap3A_311 = memref.load %arg10[%swap3A_310] : memref<1025xi32, #tpu.memory_space<smem>>
      memref.store %add3A_307, %arg10[%swap3A_310] : memref<1025xi32, #tpu.memory_space<smem>>
      %mul3A_312 = arith.constant 16 : i32
      %mul3A_313 = arith.muli %scan3A_215, %mul3A_312 : i32
      %add3A_314 = arith.constant 9 : i32
      %add3A_315 = arith.addi %mul3A_313, %add3A_314 : i32
      %add3A_316 = arith.constant 1 : i32
      %add3A_317 = arith.addi %add3A_315, %add3A_316 : i32
      %slice3A_318 = vector.extract_strided_slice %get3A_221 {offsets = [9], sizes = [1], strides = [1]} : vector<16xi32> to vector<1xi32>
      %squeeze3A_319 = vector.extract %slice3A_318[0] : i32 from vector<1xi32>
      %swap3A_320 = arith.index_cast %squeeze3A_319 : i32 to index
      %swap3A_321 = memref.load %arg10[%swap3A_320] : memref<1025xi32, #tpu.memory_space<smem>>
      memref.store %add3A_317, %arg10[%swap3A_320] : memref<1025xi32, #tpu.memory_space<smem>>
      %mul3A_322 = arith.constant 16 : i32
      %mul3A_323 = arith.muli %scan3A_215, %mul3A_322 : i32
      %add3A_324 = arith.constant 10 : i32
      %add3A_325 = arith.addi %mul3A_323, %add3A_324 : i32
      %add3A_326 = arith.constant 1 : i32
      %add3A_327 = arith.addi %add3A_325, %add3A_326 : i32
      %slice3A_328 = vector.extract_strided_slice %get3A_221 {offsets = [10], sizes = [1], strides = [1]} : vector<16xi32> to vector<1xi32>
      %squeeze3A_329 = vector.extract %slice3A_328[0] : i32 from vector<1xi32>
      %swap3A_330 = arith.index_cast %squeeze3A_329 : i32 to index
      %swap3A_331 = memref.load %arg10[%swap3A_330] : memref<1025xi32, #tpu.memory_space<smem>>
      memref.store %add3A_327, %arg10[%swap3A_330] : memref<1025xi32, #tpu.memory_space<smem>>
      %mul3A_332 = arith.constant 16 : i32
      %mul3A_333 = arith.muli %scan3A_215, %mul3A_332 : i32
      %add3A_334 = arith.constant 11 : i32
      %add3A_335 = arith.addi %mul3A_333, %add3A_334 : i32
      %add3A_336 = arith.constant 1 : i32
      %add3A_337 = arith.addi %add3A_335, %add3A_336 : i32
      %slice3A_338 = vector.extract_strided_slice %get3A_221 {offsets = [11], sizes = [1], strides = [1]} : vector<16xi32> to vector<1xi32>
      %squeeze3A_339 = vector.extract %slice3A_338[0] : i32 from vector<1xi32>
      %swap3A_340 = arith.index_cast %squeeze3A_339 : i32 to index
      %swap3A_341 = memref.load %arg10[%swap3A_340] : memref<1025xi32, #tpu.memory_space<smem>>
      memref.store %add3A_337, %arg10[%swap3A_340] : memref<1025xi32, #tpu.memory_space<smem>>
      %mul3A_342 = arith.constant 16 : i32
      %mul3A_343 = arith.muli %scan3A_215, %mul3A_342 : i32
      %add3A_344 = arith.constant 12 : i32
      %add3A_345 = arith.addi %mul3A_343, %add3A_344 : i32
      %add3A_346 = arith.constant 1 : i32
      %add3A_347 = arith.addi %add3A_345, %add3A_346 : i32
      %slice3A_348 = vector.extract_strided_slice %get3A_221 {offsets = [12], sizes = [1], strides = [1]} : vector<16xi32> to vector<1xi32>
      %squeeze3A_349 = vector.extract %slice3A_348[0] : i32 from vector<1xi32>
      %swap3A_350 = arith.index_cast %squeeze3A_349 : i32 to index
      %swap3A_351 = memref.load %arg10[%swap3A_350] : memref<1025xi32, #tpu.memory_space<smem>>
      memref.store %add3A_347, %arg10[%swap3A_350] : memref<1025xi32, #tpu.memory_space<smem>>
      %mul3A_352 = arith.constant 16 : i32
      %mul3A_353 = arith.muli %scan3A_215, %mul3A_352 : i32
      %add3A_354 = arith.constant 13 : i32
      %add3A_355 = arith.addi %mul3A_353, %add3A_354 : i32
      %add3A_356 = arith.constant 1 : i32
      %add3A_357 = arith.addi %add3A_355, %add3A_356 : i32
      %slice3A_358 = vector.extract_strided_slice %get3A_221 {offsets = [13], sizes = [1], strides = [1]} : vector<16xi32> to vector<1xi32>
      %squeeze3A_359 = vector.extract %slice3A_358[0] : i32 from vector<1xi32>
      %swap3A_360 = arith.index_cast %squeeze3A_359 : i32 to index
      %swap3A_361 = memref.load %arg10[%swap3A_360] : memref<1025xi32, #tpu.memory_space<smem>>
      memref.store %add3A_357, %arg10[%swap3A_360] : memref<1025xi32, #tpu.memory_space<smem>>
      %mul3A_362 = arith.constant 16 : i32
      %mul3A_363 = arith.muli %scan3A_215, %mul3A_362 : i32
      %add3A_364 = arith.constant 14 : i32
      %add3A_365 = arith.addi %mul3A_363, %add3A_364 : i32
      %add3A_366 = arith.constant 1 : i32
      %add3A_367 = arith.addi %add3A_365, %add3A_366 : i32
      %slice3A_368 = vector.extract_strided_slice %get3A_221 {offsets = [14], sizes = [1], strides = [1]} : vector<16xi32> to vector<1xi32>
      %squeeze3A_369 = vector.extract %slice3A_368[0] : i32 from vector<1xi32>
      %swap3A_370 = arith.index_cast %squeeze3A_369 : i32 to index
      %swap3A_371 = memref.load %arg10[%swap3A_370] : memref<1025xi32, #tpu.memory_space<smem>>
      memref.store %add3A_367, %arg10[%swap3A_370] : memref<1025xi32, #tpu.memory_space<smem>>
      %mul3A_372 = arith.constant 16 : i32
      %mul3A_373 = arith.muli %scan3A_215, %mul3A_372 : i32
      %add3A_374 = arith.constant 15 : i32
      %add3A_375 = arith.addi %mul3A_373, %add3A_374 : i32
      %add3A_376 = arith.constant 1 : i32
      %add3A_377 = arith.addi %add3A_375, %add3A_376 : i32
      %slice3A_378 = vector.extract_strided_slice %get3A_221 {offsets = [15], sizes = [1], strides = [1]} : vector<16xi32> to vector<1xi32>
      %squeeze3A_379 = vector.extract %slice3A_378[0] : i32 from vector<1xi32>
      %swap3A_380 = arith.index_cast %squeeze3A_379 : i32 to index
      %swap3A_381 = memref.load %arg10[%swap3A_380] : memref<1025xi32, #tpu.memory_space<smem>>
      memref.store %add3A_377, %arg10[%swap3A_380] : memref<1025xi32, #tpu.memory_space<smem>>
      %scan3A_382 = arith.constant 0 : i32
      scf.yield %scan3A_382 : i32
    }
    %scan3A_80 = arith.constant 16 : i32
    %scan3A_81 = arith.constant 0 : i32
    %scan3A_82 = arith.constant 0 : i32
    %scan3A_83 = arith.constant 48 : i32
    %scan3A_84 = arith.addi %scan3A_82, %scan3A_83 : i32
    %scan3A_85 = arith.constant 1 : i32
    %scan3A_86 = scf.for %scan3A_215 = %scan3A_82 to %scan3A_84 step %scan3A_85 iter_args(%scan3A_216 = %scan3A_81) -> (i32)  : i32 {
      %mul3A_217 = arith.constant 16 : i32
      %mul3A_218 = arith.muli %scan3A_215, %mul3A_217 : i32
      %get3A_219 = arith.index_cast %mul3A_218 : i32 to index
      %get3A_220 = tpu.vector_load %arg9[%get3A_219] {strides = array<i32>} : memref<768xi32, #tpu.memory_space<vmem>>, vector<16xi32>,
      %get3A_221 = vector.shape_cast %get3A_220 : vector<16xi32> to vector<16xi32>
      %slice3A_222 = vector.extract_strided_slice %get3A_221 {offsets = [0], sizes = [1], strides = [1]} : vector<16xi32> to vector<1xi32>
      %squeeze3A_223 = vector.extract %slice3A_222[0] : i32 from vector<1xi32>
      %swap3A_224 = arith.constant -2 : i32
      %swap3A_225 = arith.index_cast %squeeze3A_223 : i32 to index
      %swap3A_226 = memref.load %arg10[%swap3A_225] : memref<1025xi32, #tpu.memory_space<smem>>
      memref.store %swap3A_224, %arg10[%swap3A_225] : memref<1025xi32, #tpu.memory_space<smem>>
      %slice3A_227 = vector.extract_strided_slice %get3A_221 {offsets = [1], sizes = [1], strides = [1]} : vector<16xi32> to vector<1xi32>
      %squeeze3A_228 = vector.extract %slice3A_227[0] : i32 from vector<1xi32>
      %swap3A_229 = arith.constant -2 : i32
      %swap3A_230 = arith.index_cast %squeeze3A_228 : i32 to index
      %swap3A_231 = memref.load %arg10[%swap3A_230] : memref<1025xi32, #tpu.memory_space<smem>>
      memref.store %swap3A_229, %arg10[%swap3A_230] : memref<1025xi32, #tpu.memory_space<smem>>
      %slice3A_232 = vector.extract_strided_slice %get3A_221 {offsets = [2], sizes = [1], strides = [1]} : vector<16xi32> to vector<1xi32>
      %squeeze3A_233 = vector.extract %slice3A_232[0] : i32 from vector<1xi32>
      %swap3A_234 = arith.constant -2 : i32
      %swap3A_235 = arith.index_cast %squeeze3A_233 : i32 to index
      %swap3A_236 = memref.load %arg10[%swap3A_235] : memref<1025xi32, #tpu.memory_space<smem>>
      memref.store %swap3A_234, %arg10[%swap3A_235] : memref<1025xi32, #tpu.memory_space<smem>>
      %slice3A_237 = vector.extract_strided_slice %get3A_221 {offsets = [3], sizes = [1], strides = [1]} : vector<16xi32> to vector<1xi32>
      %squeeze3A_238 = vector.extract %slice3A_237[0] : i32 from vector<1xi32>
      %swap3A_239 = arith.constant -2 : i32
      %swap3A_240 = arith.index_cast %squeeze3A_238 : i32 to index
      %swap3A_241 = memref.load %arg10[%swap3A_240] : memref<1025xi32, #tpu.memory_space<smem>>
      memref.store %swap3A_239, %arg10[%swap3A_240] : memref<1025xi32, #tpu.memory_space<smem>>
      %slice3A_242 = vector.extract_strided_slice %get3A_221 {offsets = [4], sizes = [1], strides = [1]} : vector<16xi32> to vector<1xi32>
      %squeeze3A_243 = vector.extract %slice3A_242[0] : i32 from vector<1xi32>
      %swap3A_244 = arith.constant -2 : i32
      %swap3A_245 = arith.index_cast %squeeze3A_243 : i32 to index
      %swap3A_246 = memref.load %arg10[%swap3A_245] : memref<1025xi32, #tpu.memory_space<smem>>
      memref.store %swap3A_244, %arg10[%swap3A_245] : memref<1025xi32, #tpu.memory_space<smem>>
      %slice3A_247 = vector.extract_strided_slice %get3A_221 {offsets = [5], sizes = [1], strides = [1]} : vector<16xi32> to vector<1xi32>
      %squeeze3A_248 = vector.extract %slice3A_247[0] : i32 from vector<1xi32>
      %swap3A_249 = arith.constant -2 : i32
      %swap3A_250 = arith.index_cast %squeeze3A_248 : i32 to index
      %swap3A_251 = memref.load %arg10[%swap3A_250] : memref<1025xi32, #tpu.memory_space<smem>>
      memref.store %swap3A_249, %arg10[%swap3A_250] : memref<1025xi32, #tpu.memory_space<smem>>
      %slice3A_252 = vector.extract_strided_slice %get3A_221 {offsets = [6], sizes = [1], strides = [1]} : vector<16xi32> to vector<1xi32>
      %squeeze3A_253 = vector.extract %slice3A_252[0] : i32 from vector<1xi32>
      %swap3A_254 = arith.constant -2 : i32
      %swap3A_255 = arith.index_cast %squeeze3A_253 : i32 to index
      %swap3A_256 = memref.load %arg10[%swap3A_255] : memref<1025xi32, #tpu.memory_space<smem>>
      memref.store %swap3A_254, %arg10[%swap3A_255] : memref<1025xi32, #tpu.memory_space<smem>>
      %slice3A_257 = vector.extract_strided_slice %get3A_221 {offsets = [7], sizes = [1], strides = [1]} : vector<16xi32> to vector<1xi32>
      %squeeze3A_258 = vector.extract %slice3A_257[0] : i32 from vector<1xi32>
      %swap3A_259 = arith.constant -2 : i32
      %swap3A_260 = arith.index_cast %squeeze3A_258 : i32 to index
      %swap3A_261 = memref.load %arg10[%swap3A_260] : memref<1025xi32, #tpu.memory_space<smem>>
      memref.store %swap3A_259, %arg10[%swap3A_260] : memref<1025xi32, #tpu.memory_space<smem>>
      %slice3A_262 = vector.extract_strided_slice %get3A_221 {offsets = [8], sizes = [1], strides = [1]} : vector<16xi32> to vector<1xi32>
      %squeeze3A_263 = vector.extract %slice3A_262[0] : i32 from vector<1xi32>
      %swap3A_264 = arith.constant -2 : i32
      %swap3A_265 = arith.index_cast %squeeze3A_263 : i32 to index
      %swap3A_266 = memref.load %arg10[%swap3A_265] : memref<1025xi32, #tpu.memory_space<smem>>
      memref.store %swap3A_264, %arg10[%swap3A_265] : memref<1025xi32, #tpu.memory_space<smem>>
      %slice3A_267 = vector.extract_strided_slice %get3A_221 {offsets = [9], sizes = [1], strides = [1]} : vector<16xi32> to vector<1xi32>
      %squeeze3A_268 = vector.extract %slice3A_267[0] : i32 from vector<1xi32>
      %swap3A_269 = arith.constant -2 : i32
      %swap3A_270 = arith.index_cast %squeeze3A_268 : i32 to index
      %swap3A_271 = memref.load %arg10[%swap3A_270] : memref<1025xi32, #tpu.memory_space<smem>>
      memref.store %swap3A_269, %arg10[%swap3A_270] : memref<1025xi32, #tpu.memory_space<smem>>
      %slice3A_272 = vector.extract_strided_slice %get3A_221 {offsets = [10], sizes = [1], strides = [1]} : vector<16xi32> to vector<1xi32>
      %squeeze3A_273 = vector.extract %slice3A_272[0] : i32 from vector<1xi32>
      %swap3A_274 = arith.constant -2 : i32
      %swap3A_275 = arith.index_cast %squeeze3A_273 : i32 to index
      %swap3A_276 = memref.load %arg10[%swap3A_275] : memref<1025xi32, #tpu.memory_space<smem>>
      memref.store %swap3A_274, %arg10[%swap3A_275] : memref<1025xi32, #tpu.memory_space<smem>>
      %slice3A_277 = vector.extract_strided_slice %get3A_221 {offsets = [11], sizes = [1], strides = [1]} : vector<16xi32> to vector<1xi32>
      %squeeze3A_278 = vector.extract %slice3A_277[0] : i32 from vector<1xi32>
      %swap3A_279 = arith.constant -2 : i32
      %swap3A_280 = arith.index_cast %squeeze3A_278 : i32 to index
      %swap3A_281 = memref.load %arg10[%swap3A_280] : memref<1025xi32, #tpu.memory_space<smem>>
      memref.store %swap3A_279, %arg10[%swap3A_280] : memref<1025xi32, #tpu.memory_space<smem>>
      %slice3A_282 = vector.extract_strided_slice %get3A_221 {offsets = [12], sizes = [1], strides = [1]} : vector<16xi32> to vector<1xi32>
      %squeeze3A_283 = vector.extract %slice3A_282[0] : i32 from vector<1xi32>
      %swap3A_284 = arith.constant -2 : i32
      %swap3A_285 = arith.index_cast %squeeze3A_283 : i32 to index
      %swap3A_286 = memref.load %arg10[%swap3A_285] : memref<1025xi32, #tpu.memory_space<smem>>
      memref.store %swap3A_284, %arg10[%swap3A_285] : memref<1025xi32, #tpu.memory_space<smem>>
      %slice3A_287 = vector.extract_strided_slice %get3A_221 {offsets = [13], sizes = [1], strides = [1]} : vector<16xi32> to vector<1xi32>
      %squeeze3A_288 = vector.extract %slice3A_287[0] : i32 from vector<1xi32>
      %swap3A_289 = arith.constant -2 : i32
      %swap3A_290 = arith.index_cast %squeeze3A_288 : i32 to index
      %swap3A_291 = memref.load %arg10[%swap3A_290] : memref<1025xi32, #tpu.memory_space<smem>>
      memref.store %swap3A_289, %arg10[%swap3A_290] : memref<1025xi32, #tpu.memory_space<smem>>
      %slice3A_292 = vector.extract_strided_slice %get3A_221 {offsets = [14], sizes = [1], strides = [1]} : vector<16xi32> to vector<1xi32>
      %squeeze3A_293 = vector.extract %slice3A_292[0] : i32 from vector<1xi32>
      %swap3A_294 = arith.constant -2 : i32
      %swap3A_295 = arith.index_cast %squeeze3A_293 : i32 to index
      %swap3A_296 = memref.load %arg10[%swap3A_295] : memref<1025xi32, #tpu.memory_space<smem>>
      memref.store %swap3A_294, %arg10[%swap3A_295] : memref<1025xi32, #tpu.memory_space<smem>>
      %slice3A_297 = vector.extract_strided_slice %get3A_221 {offsets = [15], sizes = [1], strides = [1]} : vector<16xi32> to vector<1xi32>
      %squeeze3A_298 = vector.extract %slice3A_297[0] : i32 from vector<1xi32>
      %swap3A_299 = arith.constant -2 : i32
      %swap3A_300 = arith.index_cast %squeeze3A_298 : i32 to index
      %swap3A_301 = memref.load %arg10[%swap3A_300] : memref<1025xi32, #tpu.memory_space<smem>>
      memref.store %swap3A_299, %arg10[%swap3A_300] : memref<1025xi32, #tpu.memory_space<smem>>
      %scan3A_302 = arith.constant 0 : i32
      scf.yield %scan3A_302 : i32
    }
    %scan3A_87 = arith.constant 48 : i32
    %scan3A_88 = arith.constant 0 : i32
    %scan3A_89 = arith.constant 0 : i32
    %scan3A_90 = arith.constant 32 : i32
    %scan3A_91 = arith.addi %scan3A_89, %scan3A_90 : i32
    %scan3A_92 = arith.constant 1 : i32
    %scan3A_93 = scf.for %scan3A_215 = %scan3A_89 to %scan3A_91 step %scan3A_92 iter_args(%scan3A_216 = %scan3A_88) -> (i32)  : i32 {
      %scan3A_217 = arith.constant 0 : i32
      %scan3A_218 = arith.constant 0 : i32
      %scan3A_219 = arith.constant 48 : i32
      %scan3A_220 = arith.addi %scan3A_218, %scan3A_219 : i32
      %scan3A_221 = arith.constant 1 : i32
      %scan3A_222 = scf.for %scan3A_225 = %scan3A_218 to %scan3A_220 step %scan3A_221 iter_args(%scan3A_226 = %scan3A_217) -> (i32)  : i32 {
        %mul3A_227 = arith.constant 16 : i32
        %mul3A_228 = arith.muli %scan3A_225, %mul3A_227 : i32
        %swap3A_229 = arith.index_cast %scan3A_215 : i32 to index
        %swap3A_230 = arith.index_cast %mul3A_228 : i32 to index
        %swap3A_231 = tpu.vector_load %arg13[%swap3A_229, %swap3A_230] {strides = array<i32>} : memref<32x768xf32, #tpu.memory_space<vmem>>, vector<1x16xf32>,
        %swap3A_232 = vector.shape_cast %swap3A_231 : vector<1x16xf32> to vector<16xf32>
        %swap3A_233 = vector.shape_cast %broadcast_in_dim3A_61 : vector<16xf32> to vector<1x16xf32>
        tpu.vector_store %arg13[%swap3A_229, %swap3A_230], %swap3A_233 {strides = array<i32>} : memref<32x768xf32, #tpu.memory_space<vmem>>, vector<1x16xf32>,
        %mul3A_234 = arith.constant 16 : i32
        %mul3A_235 = arith.muli %scan3A_225, %mul3A_234 : i32
        %swap3A_236 = arith.index_cast %scan3A_215 : i32 to index
        %swap3A_237 = arith.index_cast %mul3A_235 : i32 to index
        %swap3A_238 = tpu.vector_load %arg14[%swap3A_236, %swap3A_237] {strides = array<i32>} : memref<32x768xf32, #tpu.memory_space<vmem>>, vector<1x16xf32>,
        %swap3A_239 = vector.shape_cast %swap3A_238 : vector<1x16xf32> to vector<16xf32>
        %swap3A_240 = vector.shape_cast %broadcast_in_dim3A_63 : vector<16xf32> to vector<1x16xf32>
        tpu.vector_store %arg14[%swap3A_236, %swap3A_237], %swap3A_240 {strides = array<i32>} : memref<32x768xf32, #tpu.memory_space<vmem>>, vector<1x16xf32>,
        %scan3A_241 = arith.constant 0 : i32
        scf.yield %scan3A_241 : i32
      }
      %scan3A_223 = arith.constant 48 : i32
      %scan3A_224 = arith.constant 0 : i32
      scf.yield %scan3A_224 : i32
    }
    %scan3A_94 = arith.constant 32 : i32
    %scan3A_95 = arith.constant -1 : i32
    %scan3A_96 = arith.constant 0 : i32
    %scan3A_97 = arith.constant 32 : i32
    %scan3A_98 = arith.addi %scan3A_96, %scan3A_97 : i32
    %scan3A_99 = arith.constant 1 : i32
    %scan3A_100 = scf.for %scan3A_215 = %scan3A_96 to %scan3A_98 step %scan3A_99 iter_args(%scan3A_216 = %scan3A_95) -> (i32)  : i32 {
      %add3A_217 = arith.addi %mul3A_2, %scan3A_215 : i32
      %get3A_218 = arith.index_cast %add3A_217 : i32 to index
      %get3A_219 = memref.load %arg10[%get3A_218] : memref<1025xi32, #tpu.memory_space<smem>>
      %ge3A_220 = arith.constant 6 : i32
      %ge3A_221 = arith.cmpi sge, %scan3A_215, %ge3A_220 : i32
      %convert_element_type3A_222 = arith.extui %ge3A_221 : i1 to i32
      %cond3A_223 = arith.constant 0 : i32
      %cond3A_224 = arith.cmpi ne, %convert_element_type3A_222, %cond3A_223 : i32
      scf.if %cond3A_224 {
        %sub3A_242 = arith.constant 6 : i32
        %sub3A_243 = arith.subi %add3A_217, %sub3A_242 : i32
        %get3A_244 = arith.index_cast %sub3A_243 : i32 to index
        %get3A_245 = memref.load %arg10[%get3A_244] : memref<1025xi32, #tpu.memory_space<smem>>
        %eq3A_246 = arith.constant -2 : i32
        %eq3A_247 = arith.cmpi eq, %get3A_245, %eq3A_246 : i32
        %convert_element_type3A_248 = arith.extui %eq3A_247 : i1 to i32
        %cond3A_249 = arith.constant 0 : i32
        %cond3A_250 = arith.cmpi ne, %convert_element_type3A_248, %cond3A_249 : i32
        scf.if %cond3A_250 {
          %dma_wait3A = arith.constant 0 : i32
          %dma_wait3A_256 = arith.constant 0 : i32
          %dma_wait3A_257 = tpu.memref_slice %arg7[%sub3A_243, %dma_wait3A, %dma_wait3A_256] : memref<1025x64x768xf32, #tpu.memory_space<hbm>> -> memref<1x32x768xf32, #tpu.memory_space<hbm>>
          %dma_wait3A_258 = tpu.memref_squeeze %dma_wait3A_257 : memref<1x32x768xf32, #tpu.memory_space<hbm>> -> memref<32x768xf32, #tpu.memory_space<hbm>>
          %dma_wait3A_259 = arith.constant 0 : i32
          %dma_wait3A_260 = arith.constant 0 : i32
          %dma_wait3A_261 = tpu.memref_slice %arg7[%sub3A_243, %dma_wait3A_259, %dma_wait3A_260] : memref<1025x64x768xf32, #tpu.memory_space<hbm>> -> memref<1x32x768xf32, #tpu.memory_space<hbm>>
          %dma_wait3A_262 = tpu.memref_squeeze %dma_wait3A_261 : memref<1x32x768xf32, #tpu.memory_space<hbm>> -> memref<32x768xf32, #tpu.memory_space<hbm>>
          tpu.wait_dma2 semaphore(%arg17 : memref<!tpu.dma_semaphore, #tpu.memory_space<semaphore_mem>>) src(%arg13 : memref<32x768xf32, #tpu.memory_space<vmem>>) dst(%dma_wait3A_262 : memref<32x768xf32, #tpu.memory_space<hbm>>)
          %dma_wait3A_263 = arith.constant 32 : i32
          %dma_wait3A_264 = arith.constant 0 : i32
          %dma_wait3A_265 = tpu.memref_slice %arg7[%sub3A_243, %dma_wait3A_263, %dma_wait3A_264] : memref<1025x64x768xf32, #tpu.memory_space<hbm>> -> memref<1x32x768xf32, #tpu.memory_space<hbm>>
          %dma_wait3A_266 = tpu.memref_squeeze %dma_wait3A_265 : memref<1x32x768xf32, #tpu.memory_space<hbm>> -> memref<32x768xf32, #tpu.memory_space<hbm>>
          %dma_wait3A_267 = arith.constant 32 : i32
          %dma_wait3A_268 = arith.constant 0 : i32
          %dma_wait3A_269 = tpu.memref_slice %arg7[%sub3A_243, %dma_wait3A_267, %dma_wait3A_268] : memref<1025x64x768xf32, #tpu.memory_space<hbm>> -> memref<1x32x768xf32, #tpu.memory_space<hbm>>
          %dma_wait3A_270 = tpu.memref_squeeze %dma_wait3A_269 : memref<1x32x768xf32, #tpu.memory_space<hbm>> -> memref<32x768xf32, #tpu.memory_space<hbm>>
          tpu.wait_dma2 semaphore(%arg17 : memref<!tpu.dma_semaphore, #tpu.memory_space<semaphore_mem>>) src(%arg13 : memref<32x768xf32, #tpu.memory_space<vmem>>) dst(%dma_wait3A_270 : memref<32x768xf32, #tpu.memory_space<hbm>>)
        } else {
        }
        %eq3A_251 = arith.constant -1 : i32
        %eq3A_252 = arith.cmpi eq, %get3A_245, %eq3A_251 : i32
        %convert_element_type3A_253 = arith.extui %eq3A_252 : i1 to i32
        %cond3A_254 = arith.constant 0 : i32
        %cond3A_255 = arith.cmpi ne, %convert_element_type3A_253, %cond3A_254 : i32
        scf.if %cond3A_255 {
          %dma_wait3A = arith.constant 0 : i32
          %dma_wait3A_256 = arith.constant 0 : i32
          %dma_wait3A_257 = tpu.memref_slice %arg7[%sub3A_243, %dma_wait3A, %dma_wait3A_256] : memref<1025x64x768xf32, #tpu.memory_space<hbm>> -> memref<1x32x768xf32, #tpu.memory_space<hbm>>
          %dma_wait3A_258 = tpu.memref_squeeze %dma_wait3A_257 : memref<1x32x768xf32, #tpu.memory_space<hbm>> -> memref<32x768xf32, #tpu.memory_space<hbm>>
          %dma_wait3A_259 = arith.constant 0 : i32
          %dma_wait3A_260 = arith.constant 0 : i32
          %dma_wait3A_261 = tpu.memref_slice %arg7[%sub3A_243, %dma_wait3A_259, %dma_wait3A_260] : memref<1025x64x768xf32, #tpu.memory_space<hbm>> -> memref<1x32x768xf32, #tpu.memory_space<hbm>>
          %dma_wait3A_262 = tpu.memref_squeeze %dma_wait3A_261 : memref<1x32x768xf32, #tpu.memory_space<hbm>> -> memref<32x768xf32, #tpu.memory_space<hbm>>
          tpu.wait_dma2 semaphore(%arg17 : memref<!tpu.dma_semaphore, #tpu.memory_space<semaphore_mem>>) src(%arg14 : memref<32x768xf32, #tpu.memory_space<vmem>>) dst(%dma_wait3A_262 : memref<32x768xf32, #tpu.memory_space<hbm>>)
          %dma_wait3A_263 = arith.constant 32 : i32
          %dma_wait3A_264 = arith.constant 0 : i32
          %dma_wait3A_265 = tpu.memref_slice %arg7[%sub3A_243, %dma_wait3A_263, %dma_wait3A_264] : memref<1025x64x768xf32, #tpu.memory_space<hbm>> -> memref<1x32x768xf32, #tpu.memory_space<hbm>>
          %dma_wait3A_266 = tpu.memref_squeeze %dma_wait3A_265 : memref<1x32x768xf32, #tpu.memory_space<hbm>> -> memref<32x768xf32, #tpu.memory_space<hbm>>
          %dma_wait3A_267 = arith.constant 32 : i32
          %dma_wait3A_268 = arith.constant 0 : i32
          %dma_wait3A_269 = tpu.memref_slice %arg7[%sub3A_243, %dma_wait3A_267, %dma_wait3A_268] : memref<1025x64x768xf32, #tpu.memory_space<hbm>> -> memref<1x32x768xf32, #tpu.memory_space<hbm>>
          %dma_wait3A_270 = tpu.memref_squeeze %dma_wait3A_269 : memref<1x32x768xf32, #tpu.memory_space<hbm>> -> memref<32x768xf32, #tpu.memory_space<hbm>>
          tpu.wait_dma2 semaphore(%arg17 : memref<!tpu.dma_semaphore, #tpu.memory_space<semaphore_mem>>) src(%arg14 : memref<32x768xf32, #tpu.memory_space<vmem>>) dst(%dma_wait3A_270 : memref<32x768xf32, #tpu.memory_space<hbm>>)
        } else {
        }
      } else {
      }
      %eq3A_225 = arith.constant -2 : i32
      %eq3A_226 = arith.cmpi eq, %get3A_219, %eq3A_225 : i32
      %convert_element_type3A_227 = arith.extui %eq3A_226 : i1 to i32
      %cond3A_228 = arith.constant 0 : i32
      %cond3A_229 = arith.cmpi ne, %convert_element_type3A_227, %cond3A_228 : i32
      scf.if %cond3A_229 {
        %dma_start3A = arith.constant 0 : i32
        %dma_start3A_242 = arith.constant 0 : i32
        %dma_start3A_243 = tpu.memref_slice %arg7[%add3A_217, %dma_start3A, %dma_start3A_242] : memref<1025x64x768xf32, #tpu.memory_space<hbm>> -> memref<1x32x768xf32, #tpu.memory_space<hbm>>
        %dma_start3A_244 = tpu.memref_squeeze %dma_start3A_243 : memref<1x32x768xf32, #tpu.memory_space<hbm>> -> memref<32x768xf32, #tpu.memory_space<hbm>>
        %dma_start3A_245 = arith.constant 0 : i32
        %dma_start3A_246 = arith.constant 0 : i32
        %dma_start3A_247 = tpu.memref_slice %arg7[%add3A_217, %dma_start3A_245, %dma_start3A_246] : memref<1025x64x768xf32, #tpu.memory_space<hbm>> -> memref<1x32x768xf32, #tpu.memory_space<hbm>>
        %dma_start3A_248 = tpu.memref_squeeze %dma_start3A_247 : memref<1x32x768xf32, #tpu.memory_space<hbm>> -> memref<32x768xf32, #tpu.memory_space<hbm>>
        tpu.enqueue_dma source(%arg13 : memref<32x768xf32, #tpu.memory_space<vmem>>) target(%dma_start3A_248 : memref<32x768xf32, #tpu.memory_space<hbm>>) target_semaphore(%arg17 : memref<!tpu.dma_semaphore, #tpu.memory_space<semaphore_mem>>)
        %dma_start3A_249 = arith.constant 32 : i32
        %dma_start3A_250 = arith.constant 0 : i32
        %dma_start3A_251 = tpu.memref_slice %arg7[%add3A_217, %dma_start3A_249, %dma_start3A_250] : memref<1025x64x768xf32, #tpu.memory_space<hbm>> -> memref<1x32x768xf32, #tpu.memory_space<hbm>>
        %dma_start3A_252 = tpu.memref_squeeze %dma_start3A_251 : memref<1x32x768xf32, #tpu.memory_space<hbm>> -> memref<32x768xf32, #tpu.memory_space<hbm>>
        %dma_start3A_253 = arith.constant 32 : i32
        %dma_start3A_254 = arith.constant 0 : i32
        %dma_start3A_255 = tpu.memref_slice %arg7[%add3A_217, %dma_start3A_253, %dma_start3A_254] : memref<1025x64x768xf32, #tpu.memory_space<hbm>> -> memref<1x32x768xf32, #tpu.memory_space<hbm>>
        %dma_start3A_256 = tpu.memref_squeeze %dma_start3A_255 : memref<1x32x768xf32, #tpu.memory_space<hbm>> -> memref<32x768xf32, #tpu.memory_space<hbm>>
        tpu.enqueue_dma source(%arg13 : memref<32x768xf32, #tpu.memory_space<vmem>>) target(%dma_start3A_256 : memref<32x768xf32, #tpu.memory_space<hbm>>) target_semaphore(%arg17 : memref<!tpu.dma_semaphore, #tpu.memory_space<semaphore_mem>>)
      } else {
      }
      %eq3A_230 = arith.constant -1 : i32
      %eq3A_231 = arith.cmpi eq, %get3A_219, %eq3A_230 : i32
      %convert_element_type3A_232 = arith.extui %eq3A_231 : i1 to i32
      %cond3A_233 = arith.constant 0 : i32
      %cond3A_234 = arith.cmpi ne, %convert_element_type3A_232, %cond3A_233 : i32
      scf.if %cond3A_234 {
        %dma_start3A = arith.constant 0 : i32
        %dma_start3A_242 = arith.constant 0 : i32
        %dma_start3A_243 = tpu.memref_slice %arg7[%add3A_217, %dma_start3A, %dma_start3A_242] : memref<1025x64x768xf32, #tpu.memory_space<hbm>> -> memref<1x32x768xf32, #tpu.memory_space<hbm>>
        %dma_start3A_244 = tpu.memref_squeeze %dma_start3A_243 : memref<1x32x768xf32, #tpu.memory_space<hbm>> -> memref<32x768xf32, #tpu.memory_space<hbm>>
        %dma_start3A_245 = arith.constant 0 : i32
        %dma_start3A_246 = arith.constant 0 : i32
        %dma_start3A_247 = tpu.memref_slice %arg7[%add3A_217, %dma_start3A_245, %dma_start3A_246] : memref<1025x64x768xf32, #tpu.memory_space<hbm>> -> memref<1x32x768xf32, #tpu.memory_space<hbm>>
        %dma_start3A_248 = tpu.memref_squeeze %dma_start3A_247 : memref<1x32x768xf32, #tpu.memory_space<hbm>> -> memref<32x768xf32, #tpu.memory_space<hbm>>
        tpu.enqueue_dma source(%arg14 : memref<32x768xf32, #tpu.memory_space<vmem>>) target(%dma_start3A_248 : memref<32x768xf32, #tpu.memory_space<hbm>>) target_semaphore(%arg17 : memref<!tpu.dma_semaphore, #tpu.memory_space<semaphore_mem>>)
        %dma_start3A_249 = arith.constant 32 : i32
        %dma_start3A_250 = arith.constant 0 : i32
        %dma_start3A_251 = tpu.memref_slice %arg7[%add3A_217, %dma_start3A_249, %dma_start3A_250] : memref<1025x64x768xf32, #tpu.memory_space<hbm>> -> memref<1x32x768xf32, #tpu.memory_space<hbm>>
        %dma_start3A_252 = tpu.memref_squeeze %dma_start3A_251 : memref<1x32x768xf32, #tpu.memory_space<hbm>> -> memref<32x768xf32, #tpu.memory_space<hbm>>
        %dma_start3A_253 = arith.constant 32 : i32
        %dma_start3A_254 = arith.constant 0 : i32
        %dma_start3A_255 = tpu.memref_slice %arg7[%add3A_217, %dma_start3A_253, %dma_start3A_254] : memref<1025x64x768xf32, #tpu.memory_space<hbm>> -> memref<1x32x768xf32, #tpu.memory_space<hbm>>
        %dma_start3A_256 = tpu.memref_squeeze %dma_start3A_255 : memref<1x32x768xf32, #tpu.memory_space<hbm>> -> memref<32x768xf32, #tpu.memory_space<hbm>>
        tpu.enqueue_dma source(%arg14 : memref<32x768xf32, #tpu.memory_space<vmem>>) target(%dma_start3A_256 : memref<32x768xf32, #tpu.memory_space<hbm>>) target_semaphore(%arg17 : memref<!tpu.dma_semaphore, #tpu.memory_space<semaphore_mem>>)
      } else {
      }
      %ge3A_235 = arith.constant 0 : i32
      %ge3A_236 = arith.cmpi sge, %get3A_219, %ge3A_235 : i32
      %convert_element_type3A_237 = arith.extui %ge3A_236 : i1 to i32
      %cond3A_238 = arith.constant 0 : i32
      %cond3A_239 = arith.cmpi ne, %convert_element_type3A_237, %cond3A_238 : i32
      scf.if %cond3A_239 {
        %ge3A_242 = arith.constant 0 : i32
        %ge3A_243 = arith.cmpi sge, %scan3A_216, %ge3A_242 : i32
        %convert_element_type3A_244 = arith.extui %ge3A_243 : i1 to i32
        %cond3A_245 = arith.constant 0 : i32
        %cond3A_246 = arith.cmpi ne, %convert_element_type3A_244, %cond3A_245 : i32
        scf.if %cond3A_246 {
          %dma_wait3A_293 = arith.constant 0 : i32
          %dma_wait3A_294 = arith.constant 0 : i32
          %dma_wait3A_295 = tpu.memref_slice %arg7[%scan3A_216, %dma_wait3A_293, %dma_wait3A_294] : memref<1025x64x768xf32, #tpu.memory_space<hbm>> -> memref<1x32x768xf32, #tpu.memory_space<hbm>>
          %dma_wait3A_296 = tpu.memref_squeeze %dma_wait3A_295 : memref<1x32x768xf32, #tpu.memory_space<hbm>> -> memref<32x768xf32, #tpu.memory_space<hbm>>
          %dma_wait3A_297 = arith.constant 0 : i32
          %dma_wait3A_298 = arith.constant 0 : i32
          %dma_wait3A_299 = tpu.memref_slice %arg7[%scan3A_216, %dma_wait3A_297, %dma_wait3A_298] : memref<1025x64x768xf32, #tpu.memory_space<hbm>> -> memref<1x32x768xf32, #tpu.memory_space<hbm>>
          %dma_wait3A_300 = tpu.memref_squeeze %dma_wait3A_299 : memref<1x32x768xf32, #tpu.memory_space<hbm>> -> memref<32x768xf32, #tpu.memory_space<hbm>>
          tpu.wait_dma2 semaphore(%arg18 : memref<!tpu.dma_semaphore, #tpu.memory_space<semaphore_mem>>) src(%arg15 : memref<32x768xf32, #tpu.memory_space<vmem>>) dst(%dma_wait3A_300 : memref<32x768xf32, #tpu.memory_space<hbm>>)
          %dma_wait3A_301 = arith.constant 32 : i32
          %dma_wait3A_302 = arith.constant 0 : i32
          %dma_wait3A_303 = tpu.memref_slice %arg7[%scan3A_216, %dma_wait3A_301, %dma_wait3A_302] : memref<1025x64x768xf32, #tpu.memory_space<hbm>> -> memref<1x32x768xf32, #tpu.memory_space<hbm>>
          %dma_wait3A_304 = tpu.memref_squeeze %dma_wait3A_303 : memref<1x32x768xf32, #tpu.memory_space<hbm>> -> memref<32x768xf32, #tpu.memory_space<hbm>>
          %dma_wait3A_305 = arith.constant 32 : i32
          %dma_wait3A_306 = arith.constant 0 : i32
          %dma_wait3A_307 = tpu.memref_slice %arg7[%scan3A_216, %dma_wait3A_305, %dma_wait3A_306] : memref<1025x64x768xf32, #tpu.memory_space<hbm>> -> memref<1x32x768xf32, #tpu.memory_space<hbm>>
          %dma_wait3A_308 = tpu.memref_squeeze %dma_wait3A_307 : memref<1x32x768xf32, #tpu.memory_space<hbm>> -> memref<32x768xf32, #tpu.memory_space<hbm>>
          tpu.wait_dma2 semaphore(%arg18 : memref<!tpu.dma_semaphore, #tpu.memory_space<semaphore_mem>>) src(%arg16 : memref<32x768xf32, #tpu.memory_space<vmem>>) dst(%dma_wait3A_308 : memref<32x768xf32, #tpu.memory_space<hbm>>)
        } else {
        }
        %dma_start3A = arith.constant 0 : i32
        %dma_start3A_247 = arith.constant 0 : i32
        %dma_start3A_248 = tpu.memref_slice %arg2[%get3A_219, %dma_start3A, %dma_start3A_247] : memref<257x64x768xf32, #tpu.memory_space<hbm>> -> memref<1x32x768xf32, #tpu.memory_space<hbm>>
        %dma_start3A_249 = tpu.memref_squeeze %dma_start3A_248 : memref<1x32x768xf32, #tpu.memory_space<hbm>> -> memref<32x768xf32, #tpu.memory_space<hbm>>
        %dma_start3A_250 = arith.constant 0 : i32
        %dma_start3A_251 = arith.constant 0 : i32
        %dma_start3A_252 = tpu.memref_slice %arg2[%get3A_219, %dma_start3A_250, %dma_start3A_251] : memref<257x64x768xf32, #tpu.memory_space<hbm>> -> memref<1x32x768xf32, #tpu.memory_space<hbm>>
        %dma_start3A_253 = tpu.memref_squeeze %dma_start3A_252 : memref<1x32x768xf32, #tpu.memory_space<hbm>> -> memref<32x768xf32, #tpu.memory_space<hbm>>
        tpu.enqueue_dma source(%dma_start3A_253 : memref<32x768xf32, #tpu.memory_space<hbm>>) target(%arg15 : memref<32x768xf32, #tpu.memory_space<vmem>>) target_semaphore(%arg18 : memref<!tpu.dma_semaphore, #tpu.memory_space<semaphore_mem>>)
        %dma_start3A_254 = arith.constant 32 : i32
        %dma_start3A_255 = arith.constant 0 : i32
        %dma_start3A_256 = tpu.memref_slice %arg2[%get3A_219, %dma_start3A_254, %dma_start3A_255] : memref<257x64x768xf32, #tpu.memory_space<hbm>> -> memref<1x32x768xf32, #tpu.memory_space<hbm>>
        %dma_start3A_257 = tpu.memref_squeeze %dma_start3A_256 : memref<1x32x768xf32, #tpu.memory_space<hbm>> -> memref<32x768xf32, #tpu.memory_space<hbm>>
        %dma_start3A_258 = arith.constant 32 : i32
        %dma_start3A_259 = arith.constant 0 : i32
        %dma_start3A_260 = tpu.memref_slice %arg2[%get3A_219, %dma_start3A_258, %dma_start3A_259] : memref<257x64x768xf32, #tpu.memory_space<hbm>> -> memref<1x32x768xf32, #tpu.memory_space<hbm>>
        %dma_start3A_261 = tpu.memref_squeeze %dma_start3A_260 : memref<1x32x768xf32, #tpu.memory_space<hbm>> -> memref<32x768xf32, #tpu.memory_space<hbm>>
        tpu.enqueue_dma source(%dma_start3A_261 : memref<32x768xf32, #tpu.memory_space<hbm>>) target(%arg16 : memref<32x768xf32, #tpu.memory_space<vmem>>) target_semaphore(%arg18 : memref<!tpu.dma_semaphore, #tpu.memory_space<semaphore_mem>>)
        %dma_wait3A = arith.constant 0 : i32
        %dma_wait3A_262 = arith.constant 0 : i32
        %dma_wait3A_263 = tpu.memref_slice %arg2[%get3A_219, %dma_wait3A, %dma_wait3A_262] : memref<257x64x768xf32, #tpu.memory_space<hbm>> -> memref<1x32x768xf32, #tpu.memory_space<hbm>>
        %dma_wait3A_264 = tpu.memref_squeeze %dma_wait3A_263 : memref<1x32x768xf32, #tpu.memory_space<hbm>> -> memref<32x768xf32, #tpu.memory_space<hbm>>
        %dma_wait3A_265 = arith.constant 0 : i32
        %dma_wait3A_266 = arith.constant 0 : i32
        %dma_wait3A_267 = tpu.memref_slice %arg2[%get3A_219, %dma_wait3A_265, %dma_wait3A_266] : memref<257x64x768xf32, #tpu.memory_space<hbm>> -> memref<1x32x768xf32, #tpu.memory_space<hbm>>
        %dma_wait3A_268 = tpu.memref_squeeze %dma_wait3A_267 : memref<1x32x768xf32, #tpu.memory_space<hbm>> -> memref<32x768xf32, #tpu.memory_space<hbm>>
        tpu.wait_dma2 semaphore(%arg18 : memref<!tpu.dma_semaphore, #tpu.memory_space<semaphore_mem>>) src(%dma_wait3A_268 : memref<32x768xf32, #tpu.memory_space<hbm>>) dst(%arg15 : memref<32x768xf32, #tpu.memory_space<vmem>>)
        %dma_wait3A_269 = arith.constant 32 : i32
        %dma_wait3A_270 = arith.constant 0 : i32
        %dma_wait3A_271 = tpu.memref_slice %arg2[%get3A_219, %dma_wait3A_269, %dma_wait3A_270] : memref<257x64x768xf32, #tpu.memory_space<hbm>> -> memref<1x32x768xf32, #tpu.memory_space<hbm>>
        %dma_wait3A_272 = tpu.memref_squeeze %dma_wait3A_271 : memref<1x32x768xf32, #tpu.memory_space<hbm>> -> memref<32x768xf32, #tpu.memory_space<hbm>>
        %dma_wait3A_273 = arith.constant 32 : i32
        %dma_wait3A_274 = arith.constant 0 : i32
        %dma_wait3A_275 = tpu.memref_slice %arg2[%get3A_219, %dma_wait3A_273, %dma_wait3A_274] : memref<257x64x768xf32, #tpu.memory_space<hbm>> -> memref<1x32x768xf32, #tpu.memory_space<hbm>>
        %dma_wait3A_276 = tpu.memref_squeeze %dma_wait3A_275 : memref<1x32x768xf32, #tpu.memory_space<hbm>> -> memref<32x768xf32, #tpu.memory_space<hbm>>
        tpu.wait_dma2 semaphore(%arg18 : memref<!tpu.dma_semaphore, #tpu.memory_space<semaphore_mem>>) src(%dma_wait3A_276 : memref<32x768xf32, #tpu.memory_space<hbm>>) dst(%arg16 : memref<32x768xf32, #tpu.memory_space<vmem>>)
        %dma_start3A_277 = arith.constant 0 : i32
        %dma_start3A_278 = arith.constant 0 : i32
        %dma_start3A_279 = tpu.memref_slice %arg7[%add3A_217, %dma_start3A_277, %dma_start3A_278] : memref<1025x64x768xf32, #tpu.memory_space<hbm>> -> memref<1x32x768xf32, #tpu.memory_space<hbm>>
        %dma_start3A_280 = tpu.memref_squeeze %dma_start3A_279 : memref<1x32x768xf32, #tpu.memory_space<hbm>> -> memref<32x768xf32, #tpu.memory_space<hbm>>
        %dma_start3A_281 = arith.constant 0 : i32
        %dma_start3A_282 = arith.constant 0 : i32
        %dma_start3A_283 = tpu.memref_slice %arg7[%add3A_217, %dma_start3A_281, %dma_start3A_282] : memref<1025x64x768xf32, #tpu.memory_space<hbm>> -> memref<1x32x768xf32, #tpu.memory_space<hbm>>
        %dma_start3A_284 = tpu.memref_squeeze %dma_start3A_283 : memref<1x32x768xf32, #tpu.memory_space<hbm>> -> memref<32x768xf32, #tpu.memory_space<hbm>>
        tpu.enqueue_dma source(%arg15 : memref<32x768xf32, #tpu.memory_space<vmem>>) target(%dma_start3A_284 : memref<32x768xf32, #tpu.memory_space<hbm>>) target_semaphore(%arg18 : memref<!tpu.dma_semaphore, #tpu.memory_space<semaphore_mem>>)
        %dma_start3A_285 = arith.constant 32 : i32
        %dma_start3A_286 = arith.constant 0 : i32
        %dma_start3A_287 = tpu.memref_slice %arg7[%add3A_217, %dma_start3A_285, %dma_start3A_286] : memref<1025x64x768xf32, #tpu.memory_space<hbm>> -> memref<1x32x768xf32, #tpu.memory_space<hbm>>
        %dma_start3A_288 = tpu.memref_squeeze %dma_start3A_287 : memref<1x32x768xf32, #tpu.memory_space<hbm>> -> memref<32x768xf32, #tpu.memory_space<hbm>>
        %dma_start3A_289 = arith.constant 32 : i32
        %dma_start3A_290 = arith.constant 0 : i32
        %dma_start3A_291 = tpu.memref_slice %arg7[%add3A_217, %dma_start3A_289, %dma_start3A_290] : memref<1025x64x768xf32, #tpu.memory_space<hbm>> -> memref<1x32x768xf32, #tpu.memory_space<hbm>>
        %dma_start3A_292 = tpu.memref_squeeze %dma_start3A_291 : memref<1x32x768xf32, #tpu.memory_space<hbm>> -> memref<32x768xf32, #tpu.memory_space<hbm>>
        tpu.enqueue_dma source(%arg16 : memref<32x768xf32, #tpu.memory_space<vmem>>) target(%dma_start3A_292 : memref<32x768xf32, #tpu.memory_space<hbm>>) target_semaphore(%arg18 : memref<!tpu.dma_semaphore, #tpu.memory_space<semaphore_mem>>)
      } else {
      }
      %ge3A_240 = arith.constant 0 : i32
      %ge3A_241 = arith.cmpi sge, %get3A_219, %ge3A_240 : i32
      %select_n3A = arith.select %ge3A_241, %add3A_217, %scan3A_216 : i32
      scf.yield %select_n3A : i32
    }
    %scan3A_101 = arith.constant 32 : i32
    %add3A_102 = arith.constant 32 : i32
    %add3A_103 = arith.addi %mul3A_2, %add3A_102 : i32
    %sub3A = arith.constant 6 : i32
    %sub3A_104 = arith.subi %add3A_103, %sub3A : i32
    %add3A_105 = arith.constant 0 : i32
    %add3A_106 = arith.addi %sub3A_104, %add3A_105 : i32
    %get3A_107 = arith.index_cast %add3A_106 : i32 to index
    %get3A_108 = memref.load %arg10[%get3A_107] : memref<1025xi32, #tpu.memory_space<smem>>
    %eq3A = arith.constant -2 : i32
    %eq3A_109 = arith.cmpi eq, %get3A_108, %eq3A : i32
    %convert_element_type3A = arith.extui %eq3A_109 : i1 to i32
    %cond3A = arith.constant 0 : i32
    %cond3A_110 = arith.cmpi ne, %convert_element_type3A, %cond3A : i32
    scf.if %cond3A_110 {
      %dma_wait3A = arith.constant 0 : i32
      %dma_wait3A_215 = arith.constant 0 : i32
      %dma_wait3A_216 = tpu.memref_slice %arg7[%add3A_106, %dma_wait3A, %dma_wait3A_215] : memref<1025x64x768xf32, #tpu.memory_space<hbm>> -> memref<1x32x768xf32, #tpu.memory_space<hbm>>
      %dma_wait3A_217 = tpu.memref_squeeze %dma_wait3A_216 : memref<1x32x768xf32, #tpu.memory_space<hbm>> -> memref<32x768xf32, #tpu.memory_space<hbm>>
      %dma_wait3A_218 = arith.constant 0 : i32
      %dma_wait3A_219 = arith.constant 0 : i32
      %dma_wait3A_220 = tpu.memref_slice %arg7[%add3A_106, %dma_wait3A_218, %dma_wait3A_219] : memref<1025x64x768xf32, #tpu.memory_space<hbm>> -> memref<1x32x768xf32, #tpu.memory_space<hbm>>
      %dma_wait3A_221 = tpu.memref_squeeze %dma_wait3A_220 : memref<1x32x768xf32, #tpu.memory_space<hbm>> -> memref<32x768xf32, #tpu.memory_space<hbm>>
      tpu.wait_dma2 semaphore(%arg17 : memref<!tpu.dma_semaphore, #tpu.memory_space<semaphore_mem>>) src(%arg13 : memref<32x768xf32, #tpu.memory_space<vmem>>) dst(%dma_wait3A_221 : memref<32x768xf32, #tpu.memory_space<hbm>>)
      %dma_wait3A_222 = arith.constant 32 : i32
      %dma_wait3A_223 = arith.constant 0 : i32
      %dma_wait3A_224 = tpu.memref_slice %arg7[%add3A_106, %dma_wait3A_222, %dma_wait3A_223] : memref<1025x64x768xf32, #tpu.memory_space<hbm>> -> memref<1x32x768xf32, #tpu.memory_space<hbm>>
      %dma_wait3A_225 = tpu.memref_squeeze %dma_wait3A_224 : memref<1x32x768xf32, #tpu.memory_space<hbm>> -> memref<32x768xf32, #tpu.memory_space<hbm>>
      %dma_wait3A_226 = arith.constant 32 : i32
      %dma_wait3A_227 = arith.constant 0 : i32
      %dma_wait3A_228 = tpu.memref_slice %arg7[%add3A_106, %dma_wait3A_226, %dma_wait3A_227] : memref<1025x64x768xf32, #tpu.memory_space<hbm>> -> memref<1x32x768xf32, #tpu.memory_space<hbm>>
      %dma_wait3A_229 = tpu.memref_squeeze %dma_wait3A_228 : memref<1x32x768xf32, #tpu.memory_space<hbm>> -> memref<32x768xf32, #tpu.memory_space<hbm>>
      tpu.wait_dma2 semaphore(%arg17 : memref<!tpu.dma_semaphore, #tpu.memory_space<semaphore_mem>>) src(%arg13 : memref<32x768xf32, #tpu.memory_space<vmem>>) dst(%dma_wait3A_229 : memref<32x768xf32, #tpu.memory_space<hbm>>)
    } else {
    }
    %eq3A_111 = arith.constant -1 : i32
    %eq3A_112 = arith.cmpi eq, %get3A_108, %eq3A_111 : i32
    %convert_element_type3A_113 = arith.extui %eq3A_112 : i1 to i32
    %cond3A_114 = arith.constant 0 : i32
    %cond3A_115 = arith.cmpi ne, %convert_element_type3A_113, %cond3A_114 : i32
    scf.if %cond3A_115 {
      %dma_wait3A = arith.constant 0 : i32
      %dma_wait3A_215 = arith.constant 0 : i32
      %dma_wait3A_216 = tpu.memref_slice %arg7[%add3A_106, %dma_wait3A, %dma_wait3A_215] : memref<1025x64x768xf32, #tpu.memory_space<hbm>> -> memref<1x32x768xf32, #tpu.memory_space<hbm>>
      %dma_wait3A_217 = tpu.memref_squeeze %dma_wait3A_216 : memref<1x32x768xf32, #tpu.memory_space<hbm>> -> memref<32x768xf32, #tpu.memory_space<hbm>>
      %dma_wait3A_218 = arith.constant 0 : i32
      %dma_wait3A_219 = arith.constant 0 : i32
      %dma_wait3A_220 = tpu.memref_slice %arg7[%add3A_106, %dma_wait3A_218, %dma_wait3A_219] : memref<1025x64x768xf32, #tpu.memory_space<hbm>> -> memref<1x32x768xf32, #tpu.memory_space<hbm>>
      %dma_wait3A_221 = tpu.memref_squeeze %dma_wait3A_220 : memref<1x32x768xf32, #tpu.memory_space<hbm>> -> memref<32x768xf32, #tpu.memory_space<hbm>>
      tpu.wait_dma2 semaphore(%arg17 : memref<!tpu.dma_semaphore, #tpu.memory_space<semaphore_mem>>) src(%arg14 : memref<32x768xf32, #tpu.memory_space<vmem>>) dst(%dma_wait3A_221 : memref<32x768xf32, #tpu.memory_space<hbm>>)
      %dma_wait3A_222 = arith.constant 32 : i32
      %dma_wait3A_223 = arith.constant 0 : i32
      %dma_wait3A_224 = tpu.memref_slice %arg7[%add3A_106, %dma_wait3A_222, %dma_wait3A_223] : memref<1025x64x768xf32, #tpu.memory_space<hbm>> -> memref<1x32x768xf32, #tpu.memory_space<hbm>>
      %dma_wait3A_225 = tpu.memref_squeeze %dma_wait3A_224 : memref<1x32x768xf32, #tpu.memory_space<hbm>> -> memref<32x768xf32, #tpu.memory_space<hbm>>
      %dma_wait3A_226 = arith.constant 32 : i32
      %dma_wait3A_227 = arith.constant 0 : i32
      %dma_wait3A_228 = tpu.memref_slice %arg7[%add3A_106, %dma_wait3A_226, %dma_wait3A_227] : memref<1025x64x768xf32, #tpu.memory_space<hbm>> -> memref<1x32x768xf32, #tpu.memory_space<hbm>>
      %dma_wait3A_229 = tpu.memref_squeeze %dma_wait3A_228 : memref<1x32x768xf32, #tpu.memory_space<hbm>> -> memref<32x768xf32, #tpu.memory_space<hbm>>
      tpu.wait_dma2 semaphore(%arg17 : memref<!tpu.dma_semaphore, #tpu.memory_space<semaphore_mem>>) src(%arg14 : memref<32x768xf32, #tpu.memory_space<vmem>>) dst(%dma_wait3A_229 : memref<32x768xf32, #tpu.memory_space<hbm>>)
    } else {
    }
    %add3A_116 = arith.constant 32 : i32
    %add3A_117 = arith.addi %mul3A_2, %add3A_116 : i32
    %sub3A_118 = arith.constant 6 : i32
    %sub3A_119 = arith.subi %add3A_117, %sub3A_118 : i32
    %add3A_120 = arith.constant 1 : i32
    %add3A_121 = arith.addi %sub3A_119, %add3A_120 : i32
    %get3A_122 = arith.index_cast %add3A_121 : i32 to index
    %get3A_123 = memref.load %arg10[%get3A_122] : memref<1025xi32, #tpu.memory_space<smem>>
    %eq3A_124 = arith.constant -2 : i32
    %eq3A_125 = arith.cmpi eq, %get3A_123, %eq3A_124 : i32
    %convert_element_type3A_126 = arith.extui %eq3A_125 : i1 to i32
    %cond3A_127 = arith.constant 0 : i32
    %cond3A_128 = arith.cmpi ne, %convert_element_type3A_126, %cond3A_127 : i32
    scf.if %cond3A_128 {
      %dma_wait3A = arith.constant 0 : i32
      %dma_wait3A_215 = arith.constant 0 : i32
      %dma_wait3A_216 = tpu.memref_slice %arg7[%add3A_121, %dma_wait3A, %dma_wait3A_215] : memref<1025x64x768xf32, #tpu.memory_space<hbm>> -> memref<1x32x768xf32, #tpu.memory_space<hbm>>
      %dma_wait3A_217 = tpu.memref_squeeze %dma_wait3A_216 : memref<1x32x768xf32, #tpu.memory_space<hbm>> -> memref<32x768xf32, #tpu.memory_space<hbm>>
      %dma_wait3A_218 = arith.constant 0 : i32
      %dma_wait3A_219 = arith.constant 0 : i32
      %dma_wait3A_220 = tpu.memref_slice %arg7[%add3A_121, %dma_wait3A_218, %dma_wait3A_219] : memref<1025x64x768xf32, #tpu.memory_space<hbm>> -> memref<1x32x768xf32, #tpu.memory_space<hbm>>
      %dma_wait3A_221 = tpu.memref_squeeze %dma_wait3A_220 : memref<1x32x768xf32, #tpu.memory_space<hbm>> -> memref<32x768xf32, #tpu.memory_space<hbm>>
      tpu.wait_dma2 semaphore(%arg17 : memref<!tpu.dma_semaphore, #tpu.memory_space<semaphore_mem>>) src(%arg13 : memref<32x768xf32, #tpu.memory_space<vmem>>) dst(%dma_wait3A_221 : memref<32x768xf32, #tpu.memory_space<hbm>>)
      %dma_wait3A_222 = arith.constant 32 : i32
      %dma_wait3A_223 = arith.constant 0 : i32
      %dma_wait3A_224 = tpu.memref_slice %arg7[%add3A_121, %dma_wait3A_222, %dma_wait3A_223] : memref<1025x64x768xf32, #tpu.memory_space<hbm>> -> memref<1x32x768xf32, #tpu.memory_space<hbm>>
      %dma_wait3A_225 = tpu.memref_squeeze %dma_wait3A_224 : memref<1x32x768xf32, #tpu.memory_space<hbm>> -> memref<32x768xf32, #tpu.memory_space<hbm>>
      %dma_wait3A_226 = arith.constant 32 : i32
      %dma_wait3A_227 = arith.constant 0 : i32
      %dma_wait3A_228 = tpu.memref_slice %arg7[%add3A_121, %dma_wait3A_226, %dma_wait3A_227] : memref<1025x64x768xf32, #tpu.memory_space<hbm>> -> memref<1x32x768xf32, #tpu.memory_space<hbm>>
      %dma_wait3A_229 = tpu.memref_squeeze %dma_wait3A_228 : memref<1x32x768xf32, #tpu.memory_space<hbm>> -> memref<32x768xf32, #tpu.memory_space<hbm>>
      tpu.wait_dma2 semaphore(%arg17 : memref<!tpu.dma_semaphore, #tpu.memory_space<semaphore_mem>>) src(%arg13 : memref<32x768xf32, #tpu.memory_space<vmem>>) dst(%dma_wait3A_229 : memref<32x768xf32, #tpu.memory_space<hbm>>)
    } else {
    }
    %eq3A_129 = arith.constant -1 : i32
    %eq3A_130 = arith.cmpi eq, %get3A_123, %eq3A_129 : i32
    %convert_element_type3A_131 = arith.extui %eq3A_130 : i1 to i32
    %cond3A_132 = arith.constant 0 : i32
    %cond3A_133 = arith.cmpi ne, %convert_element_type3A_131, %cond3A_132 : i32
    scf.if %cond3A_133 {
      %dma_wait3A = arith.constant 0 : i32
      %dma_wait3A_215 = arith.constant 0 : i32
      %dma_wait3A_216 = tpu.memref_slice %arg7[%add3A_121, %dma_wait3A, %dma_wait3A_215] : memref<1025x64x768xf32, #tpu.memory_space<hbm>> -> memref<1x32x768xf32, #tpu.memory_space<hbm>>
      %dma_wait3A_217 = tpu.memref_squeeze %dma_wait3A_216 : memref<1x32x768xf32, #tpu.memory_space<hbm>> -> memref<32x768xf32, #tpu.memory_space<hbm>>
      %dma_wait3A_218 = arith.constant 0 : i32
      %dma_wait3A_219 = arith.constant 0 : i32
      %dma_wait3A_220 = tpu.memref_slice %arg7[%add3A_121, %dma_wait3A_218, %dma_wait3A_219] : memref<1025x64x768xf32, #tpu.memory_space<hbm>> -> memref<1x32x768xf32, #tpu.memory_space<hbm>>
      %dma_wait3A_221 = tpu.memref_squeeze %dma_wait3A_220 : memref<1x32x768xf32, #tpu.memory_space<hbm>> -> memref<32x768xf32, #tpu.memory_space<hbm>>
      tpu.wait_dma2 semaphore(%arg17 : memref<!tpu.dma_semaphore, #tpu.memory_space<semaphore_mem>>) src(%arg14 : memref<32x768xf32, #tpu.memory_space<vmem>>) dst(%dma_wait3A_221 : memref<32x768xf32, #tpu.memory_space<hbm>>)
      %dma_wait3A_222 = arith.constant 32 : i32
      %dma_wait3A_223 = arith.constant 0 : i32
      %dma_wait3A_224 = tpu.memref_slice %arg7[%add3A_121, %dma_wait3A_222, %dma_wait3A_223] : memref<1025x64x768xf32, #tpu.memory_space<hbm>> -> memref<1x32x768xf32, #tpu.memory_space<hbm>>
      %dma_wait3A_225 = tpu.memref_squeeze %dma_wait3A_224 : memref<1x32x768xf32, #tpu.memory_space<hbm>> -> memref<32x768xf32, #tpu.memory_space<hbm>>
      %dma_wait3A_226 = arith.constant 32 : i32
      %dma_wait3A_227 = arith.constant 0 : i32
      %dma_wait3A_228 = tpu.memref_slice %arg7[%add3A_121, %dma_wait3A_226, %dma_wait3A_227] : memref<1025x64x768xf32, #tpu.memory_space<hbm>> -> memref<1x32x768xf32, #tpu.memory_space<hbm>>
      %dma_wait3A_229 = tpu.memref_squeeze %dma_wait3A_228 : memref<1x32x768xf32, #tpu.memory_space<hbm>> -> memref<32x768xf32, #tpu.memory_space<hbm>>
      tpu.wait_dma2 semaphore(%arg17 : memref<!tpu.dma_semaphore, #tpu.memory_space<semaphore_mem>>) src(%arg14 : memref<32x768xf32, #tpu.memory_space<vmem>>) dst(%dma_wait3A_229 : memref<32x768xf32, #tpu.memory_space<hbm>>)
    } else {
    }
    %add3A_134 = arith.constant 32 : i32
    %add3A_135 = arith.addi %mul3A_2, %add3A_134 : i32
    %sub3A_136 = arith.constant 6 : i32
    %sub3A_137 = arith.subi %add3A_135, %sub3A_136 : i32
    %add3A_138 = arith.constant 2 : i32
    %add3A_139 = arith.addi %sub3A_137, %add3A_138 : i32
    %get3A_140 = arith.index_cast %add3A_139 : i32 to index
    %get3A_141 = memref.load %arg10[%get3A_140] : memref<1025xi32, #tpu.memory_space<smem>>
    %eq3A_142 = arith.constant -2 : i32
    %eq3A_143 = arith.cmpi eq, %get3A_141, %eq3A_142 : i32
    %convert_element_type3A_144 = arith.extui %eq3A_143 : i1 to i32
    %cond3A_145 = arith.constant 0 : i32
    %cond3A_146 = arith.cmpi ne, %convert_element_type3A_144, %cond3A_145 : i32
    scf.if %cond3A_146 {
      %dma_wait3A = arith.constant 0 : i32
      %dma_wait3A_215 = arith.constant 0 : i32
      %dma_wait3A_216 = tpu.memref_slice %arg7[%add3A_139, %dma_wait3A, %dma_wait3A_215] : memref<1025x64x768xf32, #tpu.memory_space<hbm>> -> memref<1x32x768xf32, #tpu.memory_space<hbm>>
      %dma_wait3A_217 = tpu.memref_squeeze %dma_wait3A_216 : memref<1x32x768xf32, #tpu.memory_space<hbm>> -> memref<32x768xf32, #tpu.memory_space<hbm>>
      %dma_wait3A_218 = arith.constant 0 : i32
      %dma_wait3A_219 = arith.constant 0 : i32
      %dma_wait3A_220 = tpu.memref_slice %arg7[%add3A_139, %dma_wait3A_218, %dma_wait3A_219] : memref<1025x64x768xf32, #tpu.memory_space<hbm>> -> memref<1x32x768xf32, #tpu.memory_space<hbm>>
      %dma_wait3A_221 = tpu.memref_squeeze %dma_wait3A_220 : memref<1x32x768xf32, #tpu.memory_space<hbm>> -> memref<32x768xf32, #tpu.memory_space<hbm>>
      tpu.wait_dma2 semaphore(%arg17 : memref<!tpu.dma_semaphore, #tpu.memory_space<semaphore_mem>>) src(%arg13 : memref<32x768xf32, #tpu.memory_space<vmem>>) dst(%dma_wait3A_221 : memref<32x768xf32, #tpu.memory_space<hbm>>)
      %dma_wait3A_222 = arith.constant 32 : i32
      %dma_wait3A_223 = arith.constant 0 : i32
      %dma_wait3A_224 = tpu.memref_slice %arg7[%add3A_139, %dma_wait3A_222, %dma_wait3A_223] : memref<1025x64x768xf32, #tpu.memory_space<hbm>> -> memref<1x32x768xf32, #tpu.memory_space<hbm>>
      %dma_wait3A_225 = tpu.memref_squeeze %dma_wait3A_224 : memref<1x32x768xf32, #tpu.memory_space<hbm>> -> memref<32x768xf32, #tpu.memory_space<hbm>>
      %dma_wait3A_226 = arith.constant 32 : i32
      %dma_wait3A_227 = arith.constant 0 : i32
      %dma_wait3A_228 = tpu.memref_slice %arg7[%add3A_139, %dma_wait3A_226, %dma_wait3A_227] : memref<1025x64x768xf32, #tpu.memory_space<hbm>> -> memref<1x32x768xf32, #tpu.memory_space<hbm>>
      %dma_wait3A_229 = tpu.memref_squeeze %dma_wait3A_228 : memref<1x32x768xf32, #tpu.memory_space<hbm>> -> memref<32x768xf32, #tpu.memory_space<hbm>>
      tpu.wait_dma2 semaphore(%arg17 : memref<!tpu.dma_semaphore, #tpu.memory_space<semaphore_mem>>) src(%arg13 : memref<32x768xf32, #tpu.memory_space<vmem>>) dst(%dma_wait3A_229 : memref<32x768xf32, #tpu.memory_space<hbm>>)
    } else {
    }
    %eq3A_147 = arith.constant -1 : i32
    %eq3A_148 = arith.cmpi eq, %get3A_141, %eq3A_147 : i32
    %convert_element_type3A_149 = arith.extui %eq3A_148 : i1 to i32
    %cond3A_150 = arith.constant 0 : i32
    %cond3A_151 = arith.cmpi ne, %convert_element_type3A_149, %cond3A_150 : i32
    scf.if %cond3A_151 {
      %dma_wait3A = arith.constant 0 : i32
      %dma_wait3A_215 = arith.constant 0 : i32
      %dma_wait3A_216 = tpu.memref_slice %arg7[%add3A_139, %dma_wait3A, %dma_wait3A_215] : memref<1025x64x768xf32, #tpu.memory_space<hbm>> -> memref<1x32x768xf32, #tpu.memory_space<hbm>>
      %dma_wait3A_217 = tpu.memref_squeeze %dma_wait3A_216 : memref<1x32x768xf32, #tpu.memory_space<hbm>> -> memref<32x768xf32, #tpu.memory_space<hbm>>
      %dma_wait3A_218 = arith.constant 0 : i32
      %dma_wait3A_219 = arith.constant 0 : i32
      %dma_wait3A_220 = tpu.memref_slice %arg7[%add3A_139, %dma_wait3A_218, %dma_wait3A_219] : memref<1025x64x768xf32, #tpu.memory_space<hbm>> -> memref<1x32x768xf32, #tpu.memory_space<hbm>>
      %dma_wait3A_221 = tpu.memref_squeeze %dma_wait3A_220 : memref<1x32x768xf32, #tpu.memory_space<hbm>> -> memref<32x768xf32, #tpu.memory_space<hbm>>
      tpu.wait_dma2 semaphore(%arg17 : memref<!tpu.dma_semaphore, #tpu.memory_space<semaphore_mem>>) src(%arg14 : memref<32x768xf32, #tpu.memory_space<vmem>>) dst(%dma_wait3A_221 : memref<32x768xf32, #tpu.memory_space<hbm>>)
      %dma_wait3A_222 = arith.constant 32 : i32
      %dma_wait3A_223 = arith.constant 0 : i32
      %dma_wait3A_224 = tpu.memref_slice %arg7[%add3A_139, %dma_wait3A_222, %dma_wait3A_223] : memref<1025x64x768xf32, #tpu.memory_space<hbm>> -> memref<1x32x768xf32, #tpu.memory_space<hbm>>
      %dma_wait3A_225 = tpu.memref_squeeze %dma_wait3A_224 : memref<1x32x768xf32, #tpu.memory_space<hbm>> -> memref<32x768xf32, #tpu.memory_space<hbm>>
      %dma_wait3A_226 = arith.constant 32 : i32
      %dma_wait3A_227 = arith.constant 0 : i32
      %dma_wait3A_228 = tpu.memref_slice %arg7[%add3A_139, %dma_wait3A_226, %dma_wait3A_227] : memref<1025x64x768xf32, #tpu.memory_space<hbm>> -> memref<1x32x768xf32, #tpu.memory_space<hbm>>
      %dma_wait3A_229 = tpu.memref_squeeze %dma_wait3A_228 : memref<1x32x768xf32, #tpu.memory_space<hbm>> -> memref<32x768xf32, #tpu.memory_space<hbm>>
      tpu.wait_dma2 semaphore(%arg17 : memref<!tpu.dma_semaphore, #tpu.memory_space<semaphore_mem>>) src(%arg14 : memref<32x768xf32, #tpu.memory_space<vmem>>) dst(%dma_wait3A_229 : memref<32x768xf32, #tpu.memory_space<hbm>>)
    } else {
    }
    %add3A_152 = arith.constant 32 : i32
    %add3A_153 = arith.addi %mul3A_2, %add3A_152 : i32
    %sub3A_154 = arith.constant 6 : i32
    %sub3A_155 = arith.subi %add3A_153, %sub3A_154 : i32
    %add3A_156 = arith.constant 3 : i32
    %add3A_157 = arith.addi %sub3A_155, %add3A_156 : i32
    %get3A_158 = arith.index_cast %add3A_157 : i32 to index
    %get3A_159 = memref.load %arg10[%get3A_158] : memref<1025xi32, #tpu.memory_space<smem>>
    %eq3A_160 = arith.constant -2 : i32
    %eq3A_161 = arith.cmpi eq, %get3A_159, %eq3A_160 : i32
    %convert_element_type3A_162 = arith.extui %eq3A_161 : i1 to i32
    %cond3A_163 = arith.constant 0 : i32
    %cond3A_164 = arith.cmpi ne, %convert_element_type3A_162, %cond3A_163 : i32
    scf.if %cond3A_164 {
      %dma_wait3A = arith.constant 0 : i32
      %dma_wait3A_215 = arith.constant 0 : i32
      %dma_wait3A_216 = tpu.memref_slice %arg7[%add3A_157, %dma_wait3A, %dma_wait3A_215] : memref<1025x64x768xf32, #tpu.memory_space<hbm>> -> memref<1x32x768xf32, #tpu.memory_space<hbm>>
      %dma_wait3A_217 = tpu.memref_squeeze %dma_wait3A_216 : memref<1x32x768xf32, #tpu.memory_space<hbm>> -> memref<32x768xf32, #tpu.memory_space<hbm>>
      %dma_wait3A_218 = arith.constant 0 : i32
      %dma_wait3A_219 = arith.constant 0 : i32
      %dma_wait3A_220 = tpu.memref_slice %arg7[%add3A_157, %dma_wait3A_218, %dma_wait3A_219] : memref<1025x64x768xf32, #tpu.memory_space<hbm>> -> memref<1x32x768xf32, #tpu.memory_space<hbm>>
      %dma_wait3A_221 = tpu.memref_squeeze %dma_wait3A_220 : memref<1x32x768xf32, #tpu.memory_space<hbm>> -> memref<32x768xf32, #tpu.memory_space<hbm>>
      tpu.wait_dma2 semaphore(%arg17 : memref<!tpu.dma_semaphore, #tpu.memory_space<semaphore_mem>>) src(%arg13 : memref<32x768xf32, #tpu.memory_space<vmem>>) dst(%dma_wait3A_221 : memref<32x768xf32, #tpu.memory_space<hbm>>)
      %dma_wait3A_222 = arith.constant 32 : i32
      %dma_wait3A_223 = arith.constant 0 : i32
      %dma_wait3A_224 = tpu.memref_slice %arg7[%add3A_157, %dma_wait3A_222, %dma_wait3A_223] : memref<1025x64x768xf32, #tpu.memory_space<hbm>> -> memref<1x32x768xf32, #tpu.memory_space<hbm>>
      %dma_wait3A_225 = tpu.memref_squeeze %dma_wait3A_224 : memref<1x32x768xf32, #tpu.memory_space<hbm>> -> memref<32x768xf32, #tpu.memory_space<hbm>>
      %dma_wait3A_226 = arith.constant 32 : i32
      %dma_wait3A_227 = arith.constant 0 : i32
      %dma_wait3A_228 = tpu.memref_slice %arg7[%add3A_157, %dma_wait3A_226, %dma_wait3A_227] : memref<1025x64x768xf32, #tpu.memory_space<hbm>> -> memref<1x32x768xf32, #tpu.memory_space<hbm>>
      %dma_wait3A_229 = tpu.memref_squeeze %dma_wait3A_228 : memref<1x32x768xf32, #tpu.memory_space<hbm>> -> memref<32x768xf32, #tpu.memory_space<hbm>>
      tpu.wait_dma2 semaphore(%arg17 : memref<!tpu.dma_semaphore, #tpu.memory_space<semaphore_mem>>) src(%arg13 : memref<32x768xf32, #tpu.memory_space<vmem>>) dst(%dma_wait3A_229 : memref<32x768xf32, #tpu.memory_space<hbm>>)
    } else {
    }
    %eq3A_165 = arith.constant -1 : i32
    %eq3A_166 = arith.cmpi eq, %get3A_159, %eq3A_165 : i32
    %convert_element_type3A_167 = arith.extui %eq3A_166 : i1 to i32
    %cond3A_168 = arith.constant 0 : i32
    %cond3A_169 = arith.cmpi ne, %convert_element_type3A_167, %cond3A_168 : i32
    scf.if %cond3A_169 {
      %dma_wait3A = arith.constant 0 : i32
      %dma_wait3A_215 = arith.constant 0 : i32
      %dma_wait3A_216 = tpu.memref_slice %arg7[%add3A_157, %dma_wait3A, %dma_wait3A_215] : memref<1025x64x768xf32, #tpu.memory_space<hbm>> -> memref<1x32x768xf32, #tpu.memory_space<hbm>>
      %dma_wait3A_217 = tpu.memref_squeeze %dma_wait3A_216 : memref<1x32x768xf32, #tpu.memory_space<hbm>> -> memref<32x768xf32, #tpu.memory_space<hbm>>
      %dma_wait3A_218 = arith.constant 0 : i32
      %dma_wait3A_219 = arith.constant 0 : i32
      %dma_wait3A_220 = tpu.memref_slice %arg7[%add3A_157, %dma_wait3A_218, %dma_wait3A_219] : memref<1025x64x768xf32, #tpu.memory_space<hbm>> -> memref<1x32x768xf32, #tpu.memory_space<hbm>>
      %dma_wait3A_221 = tpu.memref_squeeze %dma_wait3A_220 : memref<1x32x768xf32, #tpu.memory_space<hbm>> -> memref<32x768xf32, #tpu.memory_space<hbm>>
      tpu.wait_dma2 semaphore(%arg17 : memref<!tpu.dma_semaphore, #tpu.memory_space<semaphore_mem>>) src(%arg14 : memref<32x768xf32, #tpu.memory_space<vmem>>) dst(%dma_wait3A_221 : memref<32x768xf32, #tpu.memory_space<hbm>>)
      %dma_wait3A_222 = arith.constant 32 : i32
      %dma_wait3A_223 = arith.constant 0 : i32
      %dma_wait3A_224 = tpu.memref_slice %arg7[%add3A_157, %dma_wait3A_222, %dma_wait3A_223] : memref<1025x64x768xf32, #tpu.memory_space<hbm>> -> memref<1x32x768xf32, #tpu.memory_space<hbm>>
      %dma_wait3A_225 = tpu.memref_squeeze %dma_wait3A_224 : memref<1x32x768xf32, #tpu.memory_space<hbm>> -> memref<32x768xf32, #tpu.memory_space<hbm>>
      %dma_wait3A_226 = arith.constant 32 : i32
      %dma_wait3A_227 = arith.constant 0 : i32
      %dma_wait3A_228 = tpu.memref_slice %arg7[%add3A_157, %dma_wait3A_226, %dma_wait3A_227] : memref<1025x64x768xf32, #tpu.memory_space<hbm>> -> memref<1x32x768xf32, #tpu.memory_space<hbm>>
      %dma_wait3A_229 = tpu.memref_squeeze %dma_wait3A_228 : memref<1x32x768xf32, #tpu.memory_space<hbm>> -> memref<32x768xf32, #tpu.memory_space<hbm>>
      tpu.wait_dma2 semaphore(%arg17 : memref<!tpu.dma_semaphore, #tpu.memory_space<semaphore_mem>>) src(%arg14 : memref<32x768xf32, #tpu.memory_space<vmem>>) dst(%dma_wait3A_229 : memref<32x768xf32, #tpu.memory_space<hbm>>)
    } else {
    }
    %add3A_170 = arith.constant 32 : i32
    %add3A_171 = arith.addi %mul3A_2, %add3A_170 : i32
    %sub3A_172 = arith.constant 6 : i32
    %sub3A_173 = arith.subi %add3A_171, %sub3A_172 : i32
    %add3A_174 = arith.constant 4 : i32
    %add3A_175 = arith.addi %sub3A_173, %add3A_174 : i32
    %get3A_176 = arith.index_cast %add3A_175 : i32 to index
    %get3A_177 = memref.load %arg10[%get3A_176] : memref<1025xi32, #tpu.memory_space<smem>>
    %eq3A_178 = arith.constant -2 : i32
    %eq3A_179 = arith.cmpi eq, %get3A_177, %eq3A_178 : i32
    %convert_element_type3A_180 = arith.extui %eq3A_179 : i1 to i32
    %cond3A_181 = arith.constant 0 : i32
    %cond3A_182 = arith.cmpi ne, %convert_element_type3A_180, %cond3A_181 : i32
    scf.if %cond3A_182 {
      %dma_wait3A = arith.constant 0 : i32
      %dma_wait3A_215 = arith.constant 0 : i32
      %dma_wait3A_216 = tpu.memref_slice %arg7[%add3A_175, %dma_wait3A, %dma_wait3A_215] : memref<1025x64x768xf32, #tpu.memory_space<hbm>> -> memref<1x32x768xf32, #tpu.memory_space<hbm>>
      %dma_wait3A_217 = tpu.memref_squeeze %dma_wait3A_216 : memref<1x32x768xf32, #tpu.memory_space<hbm>> -> memref<32x768xf32, #tpu.memory_space<hbm>>
      %dma_wait3A_218 = arith.constant 0 : i32
      %dma_wait3A_219 = arith.constant 0 : i32
      %dma_wait3A_220 = tpu.memref_slice %arg7[%add3A_175, %dma_wait3A_218, %dma_wait3A_219] : memref<1025x64x768xf32, #tpu.memory_space<hbm>> -> memref<1x32x768xf32, #tpu.memory_space<hbm>>
      %dma_wait3A_221 = tpu.memref_squeeze %dma_wait3A_220 : memref<1x32x768xf32, #tpu.memory_space<hbm>> -> memref<32x768xf32, #tpu.memory_space<hbm>>
      tpu.wait_dma2 semaphore(%arg17 : memref<!tpu.dma_semaphore, #tpu.memory_space<semaphore_mem>>) src(%arg13 : memref<32x768xf32, #tpu.memory_space<vmem>>) dst(%dma_wait3A_221 : memref<32x768xf32, #tpu.memory_space<hbm>>)
      %dma_wait3A_222 = arith.constant 32 : i32
      %dma_wait3A_223 = arith.constant 0 : i32
      %dma_wait3A_224 = tpu.memref_slice %arg7[%add3A_175, %dma_wait3A_222, %dma_wait3A_223] : memref<1025x64x768xf32, #tpu.memory_space<hbm>> -> memref<1x32x768xf32, #tpu.memory_space<hbm>>
      %dma_wait3A_225 = tpu.memref_squeeze %dma_wait3A_224 : memref<1x32x768xf32, #tpu.memory_space<hbm>> -> memref<32x768xf32, #tpu.memory_space<hbm>>
      %dma_wait3A_226 = arith.constant 32 : i32
      %dma_wait3A_227 = arith.constant 0 : i32
      %dma_wait3A_228 = tpu.memref_slice %arg7[%add3A_175, %dma_wait3A_226, %dma_wait3A_227] : memref<1025x64x768xf32, #tpu.memory_space<hbm>> -> memref<1x32x768xf32, #tpu.memory_space<hbm>>
      %dma_wait3A_229 = tpu.memref_squeeze %dma_wait3A_228 : memref<1x32x768xf32, #tpu.memory_space<hbm>> -> memref<32x768xf32, #tpu.memory_space<hbm>>
      tpu.wait_dma2 semaphore(%arg17 : memref<!tpu.dma_semaphore, #tpu.memory_space<semaphore_mem>>) src(%arg13 : memref<32x768xf32, #tpu.memory_space<vmem>>) dst(%dma_wait3A_229 : memref<32x768xf32, #tpu.memory_space<hbm>>)
    } else {
    }
    %eq3A_183 = arith.constant -1 : i32
    %eq3A_184 = arith.cmpi eq, %get3A_177, %eq3A_183 : i32
    %convert_element_type3A_185 = arith.extui %eq3A_184 : i1 to i32
    %cond3A_186 = arith.constant 0 : i32
    %cond3A_187 = arith.cmpi ne, %convert_element_type3A_185, %cond3A_186 : i32
    scf.if %cond3A_187 {
      %dma_wait3A = arith.constant 0 : i32
      %dma_wait3A_215 = arith.constant 0 : i32
      %dma_wait3A_216 = tpu.memref_slice %arg7[%add3A_175, %dma_wait3A, %dma_wait3A_215] : memref<1025x64x768xf32, #tpu.memory_space<hbm>> -> memref<1x32x768xf32, #tpu.memory_space<hbm>>
      %dma_wait3A_217 = tpu.memref_squeeze %dma_wait3A_216 : memref<1x32x768xf32, #tpu.memory_space<hbm>> -> memref<32x768xf32, #tpu.memory_space<hbm>>
      %dma_wait3A_218 = arith.constant 0 : i32
      %dma_wait3A_219 = arith.constant 0 : i32
      %dma_wait3A_220 = tpu.memref_slice %arg7[%add3A_175, %dma_wait3A_218, %dma_wait3A_219] : memref<1025x64x768xf32, #tpu.memory_space<hbm>> -> memref<1x32x768xf32, #tpu.memory_space<hbm>>
      %dma_wait3A_221 = tpu.memref_squeeze %dma_wait3A_220 : memref<1x32x768xf32, #tpu.memory_space<hbm>> -> memref<32x768xf32, #tpu.memory_space<hbm>>
      tpu.wait_dma2 semaphore(%arg17 : memref<!tpu.dma_semaphore, #tpu.memory_space<semaphore_mem>>) src(%arg14 : memref<32x768xf32, #tpu.memory_space<vmem>>) dst(%dma_wait3A_221 : memref<32x768xf32, #tpu.memory_space<hbm>>)
      %dma_wait3A_222 = arith.constant 32 : i32
      %dma_wait3A_223 = arith.constant 0 : i32
      %dma_wait3A_224 = tpu.memref_slice %arg7[%add3A_175, %dma_wait3A_222, %dma_wait3A_223] : memref<1025x64x768xf32, #tpu.memory_space<hbm>> -> memref<1x32x768xf32, #tpu.memory_space<hbm>>
      %dma_wait3A_225 = tpu.memref_squeeze %dma_wait3A_224 : memref<1x32x768xf32, #tpu.memory_space<hbm>> -> memref<32x768xf32, #tpu.memory_space<hbm>>
      %dma_wait3A_226 = arith.constant 32 : i32
      %dma_wait3A_227 = arith.constant 0 : i32
      %dma_wait3A_228 = tpu.memref_slice %arg7[%add3A_175, %dma_wait3A_226, %dma_wait3A_227] : memref<1025x64x768xf32, #tpu.memory_space<hbm>> -> memref<1x32x768xf32, #tpu.memory_space<hbm>>
      %dma_wait3A_229 = tpu.memref_squeeze %dma_wait3A_228 : memref<1x32x768xf32, #tpu.memory_space<hbm>> -> memref<32x768xf32, #tpu.memory_space<hbm>>
      tpu.wait_dma2 semaphore(%arg17 : memref<!tpu.dma_semaphore, #tpu.memory_space<semaphore_mem>>) src(%arg14 : memref<32x768xf32, #tpu.memory_space<vmem>>) dst(%dma_wait3A_229 : memref<32x768xf32, #tpu.memory_space<hbm>>)
    } else {
    }
    %add3A_188 = arith.constant 32 : i32
    %add3A_189 = arith.addi %mul3A_2, %add3A_188 : i32
    %sub3A_190 = arith.constant 6 : i32
    %sub3A_191 = arith.subi %add3A_189, %sub3A_190 : i32
    %add3A_192 = arith.constant 5 : i32
    %add3A_193 = arith.addi %sub3A_191, %add3A_192 : i32
    %get3A_194 = arith.index_cast %add3A_193 : i32 to index
    %get3A_195 = memref.load %arg10[%get3A_194] : memref<1025xi32, #tpu.memory_space<smem>>
    %eq3A_196 = arith.constant -2 : i32
    %eq3A_197 = arith.cmpi eq, %get3A_195, %eq3A_196 : i32
    %convert_element_type3A_198 = arith.extui %eq3A_197 : i1 to i32
    %cond3A_199 = arith.constant 0 : i32
    %cond3A_200 = arith.cmpi ne, %convert_element_type3A_198, %cond3A_199 : i32
    scf.if %cond3A_200 {
      %dma_wait3A = arith.constant 0 : i32
      %dma_wait3A_215 = arith.constant 0 : i32
      %dma_wait3A_216 = tpu.memref_slice %arg7[%add3A_193, %dma_wait3A, %dma_wait3A_215] : memref<1025x64x768xf32, #tpu.memory_space<hbm>> -> memref<1x32x768xf32, #tpu.memory_space<hbm>>
      %dma_wait3A_217 = tpu.memref_squeeze %dma_wait3A_216 : memref<1x32x768xf32, #tpu.memory_space<hbm>> -> memref<32x768xf32, #tpu.memory_space<hbm>>
      %dma_wait3A_218 = arith.constant 0 : i32
      %dma_wait3A_219 = arith.constant 0 : i32
      %dma_wait3A_220 = tpu.memref_slice %arg7[%add3A_193, %dma_wait3A_218, %dma_wait3A_219] : memref<1025x64x768xf32, #tpu.memory_space<hbm>> -> memref<1x32x768xf32, #tpu.memory_space<hbm>>
      %dma_wait3A_221 = tpu.memref_squeeze %dma_wait3A_220 : memref<1x32x768xf32, #tpu.memory_space<hbm>> -> memref<32x768xf32, #tpu.memory_space<hbm>>
      tpu.wait_dma2 semaphore(%arg17 : memref<!tpu.dma_semaphore, #tpu.memory_space<semaphore_mem>>) src(%arg13 : memref<32x768xf32, #tpu.memory_space<vmem>>) dst(%dma_wait3A_221 : memref<32x768xf32, #tpu.memory_space<hbm>>)
      %dma_wait3A_222 = arith.constant 32 : i32
      %dma_wait3A_223 = arith.constant 0 : i32
      %dma_wait3A_224 = tpu.memref_slice %arg7[%add3A_193, %dma_wait3A_222, %dma_wait3A_223] : memref<1025x64x768xf32, #tpu.memory_space<hbm>> -> memref<1x32x768xf32, #tpu.memory_space<hbm>>
      %dma_wait3A_225 = tpu.memref_squeeze %dma_wait3A_224 : memref<1x32x768xf32, #tpu.memory_space<hbm>> -> memref<32x768xf32, #tpu.memory_space<hbm>>
      %dma_wait3A_226 = arith.constant 32 : i32
      %dma_wait3A_227 = arith.constant 0 : i32
      %dma_wait3A_228 = tpu.memref_slice %arg7[%add3A_193, %dma_wait3A_226, %dma_wait3A_227] : memref<1025x64x768xf32, #tpu.memory_space<hbm>> -> memref<1x32x768xf32, #tpu.memory_space<hbm>>
      %dma_wait3A_229 = tpu.memref_squeeze %dma_wait3A_228 : memref<1x32x768xf32, #tpu.memory_space<hbm>> -> memref<32x768xf32, #tpu.memory_space<hbm>>
      tpu.wait_dma2 semaphore(%arg17 : memref<!tpu.dma_semaphore, #tpu.memory_space<semaphore_mem>>) src(%arg13 : memref<32x768xf32, #tpu.memory_space<vmem>>) dst(%dma_wait3A_229 : memref<32x768xf32, #tpu.memory_space<hbm>>)
    } else {
    }
    %eq3A_201 = arith.constant -1 : i32
    %eq3A_202 = arith.cmpi eq, %get3A_195, %eq3A_201 : i32
    %convert_element_type3A_203 = arith.extui %eq3A_202 : i1 to i32
    %cond3A_204 = arith.constant 0 : i32
    %cond3A_205 = arith.cmpi ne, %convert_element_type3A_203, %cond3A_204 : i32
    scf.if %cond3A_205 {
      %dma_wait3A = arith.constant 0 : i32
      %dma_wait3A_215 = arith.constant 0 : i32
      %dma_wait3A_216 = tpu.memref_slice %arg7[%add3A_193, %dma_wait3A, %dma_wait3A_215] : memref<1025x64x768xf32, #tpu.memory_space<hbm>> -> memref<1x32x768xf32, #tpu.memory_space<hbm>>
      %dma_wait3A_217 = tpu.memref_squeeze %dma_wait3A_216 : memref<1x32x768xf32, #tpu.memory_space<hbm>> -> memref<32x768xf32, #tpu.memory_space<hbm>>
      %dma_wait3A_218 = arith.constant 0 : i32
      %dma_wait3A_219 = arith.constant 0 : i32
      %dma_wait3A_220 = tpu.memref_slice %arg7[%add3A_193, %dma_wait3A_218, %dma_wait3A_219] : memref<1025x64x768xf32, #tpu.memory_space<hbm>> -> memref<1x32x768xf32, #tpu.memory_space<hbm>>
      %dma_wait3A_221 = tpu.memref_squeeze %dma_wait3A_220 : memref<1x32x768xf32, #tpu.memory_space<hbm>> -> memref<32x768xf32, #tpu.memory_space<hbm>>
      tpu.wait_dma2 semaphore(%arg17 : memref<!tpu.dma_semaphore, #tpu.memory_space<semaphore_mem>>) src(%arg14 : memref<32x768xf32, #tpu.memory_space<vmem>>) dst(%dma_wait3A_221 : memref<32x768xf32, #tpu.memory_space<hbm>>)
      %dma_wait3A_222 = arith.constant 32 : i32
      %dma_wait3A_223 = arith.constant 0 : i32
      %dma_wait3A_224 = tpu.memref_slice %arg7[%add3A_193, %dma_wait3A_222, %dma_wait3A_223] : memref<1025x64x768xf32, #tpu.memory_space<hbm>> -> memref<1x32x768xf32, #tpu.memory_space<hbm>>
      %dma_wait3A_225 = tpu.memref_squeeze %dma_wait3A_224 : memref<1x32x768xf32, #tpu.memory_space<hbm>> -> memref<32x768xf32, #tpu.memory_space<hbm>>
      %dma_wait3A_226 = arith.constant 32 : i32
      %dma_wait3A_227 = arith.constant 0 : i32
      %dma_wait3A_228 = tpu.memref_slice %arg7[%add3A_193, %dma_wait3A_226, %dma_wait3A_227] : memref<1025x64x768xf32, #tpu.memory_space<hbm>> -> memref<1x32x768xf32, #tpu.memory_space<hbm>>
      %dma_wait3A_229 = tpu.memref_squeeze %dma_wait3A_228 : memref<1x32x768xf32, #tpu.memory_space<hbm>> -> memref<32x768xf32, #tpu.memory_space<hbm>>
      tpu.wait_dma2 semaphore(%arg17 : memref<!tpu.dma_semaphore, #tpu.memory_space<semaphore_mem>>) src(%arg14 : memref<32x768xf32, #tpu.memory_space<vmem>>) dst(%dma_wait3A_229 : memref<32x768xf32, #tpu.memory_space<hbm>>)
    } else {
    }
    %ge3A = arith.constant 0 : i32
    %ge3A_206 = arith.cmpi sge, %scan3A_100, %ge3A : i32
    %convert_element_type3A_207 = arith.extui %ge3A_206 : i1 to i32
    %cond3A_208 = arith.constant 0 : i32
    %cond3A_209 = arith.cmpi ne, %convert_element_type3A_207, %cond3A_208 : i32
    scf.if %cond3A_209 {
      %dma_wait3A = arith.constant 0 : i32
      %dma_wait3A_215 = arith.constant 0 : i32
      %dma_wait3A_216 = tpu.memref_slice %arg7[%scan3A_100, %dma_wait3A, %dma_wait3A_215] : memref<1025x64x768xf32, #tpu.memory_space<hbm>> -> memref<1x32x768xf32, #tpu.memory_space<hbm>>
      %dma_wait3A_217 = tpu.memref_squeeze %dma_wait3A_216 : memref<1x32x768xf32, #tpu.memory_space<hbm>> -> memref<32x768xf32, #tpu.memory_space<hbm>>
      %dma_wait3A_218 = arith.constant 0 : i32
      %dma_wait3A_219 = arith.constant 0 : i32
      %dma_wait3A_220 = tpu.memref_slice %arg7[%scan3A_100, %dma_wait3A_218, %dma_wait3A_219] : memref<1025x64x768xf32, #tpu.memory_space<hbm>> -> memref<1x32x768xf32, #tpu.memory_space<hbm>>
      %dma_wait3A_221 = tpu.memref_squeeze %dma_wait3A_220 : memref<1x32x768xf32, #tpu.memory_space<hbm>> -> memref<32x768xf32, #tpu.memory_space<hbm>>
      tpu.wait_dma2 semaphore(%arg18 : memref<!tpu.dma_semaphore, #tpu.memory_space<semaphore_mem>>) src(%arg15 : memref<32x768xf32, #tpu.memory_space<vmem>>) dst(%dma_wait3A_221 : memref<32x768xf32, #tpu.memory_space<hbm>>)
      %dma_wait3A_222 = arith.constant 32 : i32
      %dma_wait3A_223 = arith.constant 0 : i32
      %dma_wait3A_224 = tpu.memref_slice %arg7[%scan3A_100, %dma_wait3A_222, %dma_wait3A_223] : memref<1025x64x768xf32, #tpu.memory_space<hbm>> -> memref<1x32x768xf32, #tpu.memory_space<hbm>>
      %dma_wait3A_225 = tpu.memref_squeeze %dma_wait3A_224 : memref<1x32x768xf32, #tpu.memory_space<hbm>> -> memref<32x768xf32, #tpu.memory_space<hbm>>
      %dma_wait3A_226 = arith.constant 32 : i32
      %dma_wait3A_227 = arith.constant 0 : i32
      %dma_wait3A_228 = tpu.memref_slice %arg7[%scan3A_100, %dma_wait3A_226, %dma_wait3A_227] : memref<1025x64x768xf32, #tpu.memory_space<hbm>> -> memref<1x32x768xf32, #tpu.memory_space<hbm>>
      %dma_wait3A_229 = tpu.memref_squeeze %dma_wait3A_228 : memref<1x32x768xf32, #tpu.memory_space<hbm>> -> memref<32x768xf32, #tpu.memory_space<hbm>>
      tpu.wait_dma2 semaphore(%arg18 : memref<!tpu.dma_semaphore, #tpu.memory_space<semaphore_mem>>) src(%arg16 : memref<32x768xf32, #tpu.memory_space<vmem>>) dst(%dma_wait3A_229 : memref<32x768xf32, #tpu.memory_space<hbm>>)
    } else {
    }
    %eq3A_210 = arith.constant 0 : i32
    %eq3A_211 = arith.cmpi eq, %add3A, %eq3A_210 : i32
    %convert_element_type3A_212 = arith.extui %eq3A_211 : i1 to i32
    %cond3A_213 = arith.constant 0 : i32
    %cond3A_214 = arith.cmpi ne, %convert_element_type3A_212, %cond3A_213 : i32
    scf.if %cond3A_214 {
      %get3A_215 = arith.constant 1024 : i32
      %get3A_216 = arith.index_cast %get3A_215 : i32 to index
      %get3A_217 = memref.load %arg10[%get3A_216] : memref<1025xi32, #tpu.memory_space<smem>>
      %eq3A_218 = arith.constant -2 : i32
      %eq3A_219 = arith.cmpi eq, %get3A_217, %eq3A_218 : i32
      %convert_element_type3A_220 = arith.extui %eq3A_219 : i1 to i32
      %cond3A_221 = arith.constant 0 : i32
      %cond3A_222 = arith.cmpi ne, %convert_element_type3A_220, %cond3A_221 : i32
      scf.if %cond3A_222 {
        %run_scoped3A = arith.constant 1024 : i32
        "tpu.region"() ({
          %run_scoped3A_234 = tpu.sem_alloc : memref<!tpu.dma_semaphore, #tpu.memory_space<semaphore_mem>>
          %dma_start3A = arith.constant 0 : i32
          %dma_start3A_235 = arith.constant 0 : i32
          %dma_start3A_236 = tpu.memref_slice %arg7[%run_scoped3A, %dma_start3A, %dma_start3A_235] : memref<1025x64x768xf32, #tpu.memory_space<hbm>> -> memref<1x32x768xf32, #tpu.memory_space<hbm>>
          %dma_start3A_237 = tpu.memref_squeeze %dma_start3A_236 : memref<1x32x768xf32, #tpu.memory_space<hbm>> -> memref<32x768xf32, #tpu.memory_space<hbm>>
          %dma_start3A_238 = arith.constant 0 : i32
          %dma_start3A_239 = arith.constant 0 : i32
          %dma_start3A_240 = tpu.memref_slice %arg7[%run_scoped3A, %dma_start3A_238, %dma_start3A_239] : memref<1025x64x768xf32, #tpu.memory_space<hbm>> -> memref<1x32x768xf32, #tpu.memory_space<hbm>>
          %dma_start3A_241 = tpu.memref_squeeze %dma_start3A_240 : memref<1x32x768xf32, #tpu.memory_space<hbm>> -> memref<32x768xf32, #tpu.memory_space<hbm>>
          tpu.enqueue_dma source(%arg13 : memref<32x768xf32, #tpu.memory_space<vmem>>) target(%dma_start3A_241 : memref<32x768xf32, #tpu.memory_space<hbm>>) target_semaphore(%run_scoped3A_234 : memref<!tpu.dma_semaphore, #tpu.memory_space<semaphore_mem>>)
          %dma_wait3A = arith.constant 0 : i32
          %dma_wait3A_242 = arith.constant 0 : i32
          %dma_wait3A_243 = tpu.memref_slice %arg7[%run_scoped3A, %dma_wait3A, %dma_wait3A_242] : memref<1025x64x768xf32, #tpu.memory_space<hbm>> -> memref<1x32x768xf32, #tpu.memory_space<hbm>>
          %dma_wait3A_244 = tpu.memref_squeeze %dma_wait3A_243 : memref<1x32x768xf32, #tpu.memory_space<hbm>> -> memref<32x768xf32, #tpu.memory_space<hbm>>
          %dma_wait3A_245 = arith.constant 0 : i32
          %dma_wait3A_246 = arith.constant 0 : i32
          %dma_wait3A_247 = tpu.memref_slice %arg7[%run_scoped3A, %dma_wait3A_245, %dma_wait3A_246] : memref<1025x64x768xf32, #tpu.memory_space<hbm>> -> memref<1x32x768xf32, #tpu.memory_space<hbm>>
          %dma_wait3A_248 = tpu.memref_squeeze %dma_wait3A_247 : memref<1x32x768xf32, #tpu.memory_space<hbm>> -> memref<32x768xf32, #tpu.memory_space<hbm>>
          tpu.wait_dma2 semaphore(%run_scoped3A_234 : memref<!tpu.dma_semaphore, #tpu.memory_space<semaphore_mem>>) src(%arg13 : memref<32x768xf32, #tpu.memory_space<vmem>>) dst(%dma_wait3A_248 : memref<32x768xf32, #tpu.memory_space<hbm>>)
          tpu.yield
        }) : () -> ()
        %run_scoped3A_233 = arith.constant 1024 : i32
        "tpu.region"() ({
          %run_scoped3A_234 = tpu.sem_alloc : memref<!tpu.dma_semaphore, #tpu.memory_space<semaphore_mem>>
          %dma_start3A = arith.constant 32 : i32
          %dma_start3A_235 = arith.constant 0 : i32
          %dma_start3A_236 = tpu.memref_slice %arg7[%run_scoped3A_233, %dma_start3A, %dma_start3A_235] : memref<1025x64x768xf32, #tpu.memory_space<hbm>> -> memref<1x32x768xf32, #tpu.memory_space<hbm>>
          %dma_start3A_237 = tpu.memref_squeeze %dma_start3A_236 : memref<1x32x768xf32, #tpu.memory_space<hbm>> -> memref<32x768xf32, #tpu.memory_space<hbm>>
          %dma_start3A_238 = arith.constant 32 : i32
          %dma_start3A_239 = arith.constant 0 : i32
          %dma_start3A_240 = tpu.memref_slice %arg7[%run_scoped3A_233, %dma_start3A_238, %dma_start3A_239] : memref<1025x64x768xf32, #tpu.memory_space<hbm>> -> memref<1x32x768xf32, #tpu.memory_space<hbm>>
          %dma_start3A_241 = tpu.memref_squeeze %dma_start3A_240 : memref<1x32x768xf32, #tpu.memory_space<hbm>> -> memref<32x768xf32, #tpu.memory_space<hbm>>
          tpu.enqueue_dma source(%arg13 : memref<32x768xf32, #tpu.memory_space<vmem>>) target(%dma_start3A_241 : memref<32x768xf32, #tpu.memory_space<hbm>>) target_semaphore(%run_scoped3A_234 : memref<!tpu.dma_semaphore, #tpu.memory_space<semaphore_mem>>)
          %dma_wait3A = arith.constant 32 : i32
          %dma_wait3A_242 = arith.constant 0 : i32
          %dma_wait3A_243 = tpu.memref_slice %arg7[%run_scoped3A_233, %dma_wait3A, %dma_wait3A_242] : memref<1025x64x768xf32, #tpu.memory_space<hbm>> -> memref<1x32x768xf32, #tpu.memory_space<hbm>>
          %dma_wait3A_244 = tpu.memref_squeeze %dma_wait3A_243 : memref<1x32x768xf32, #tpu.memory_space<hbm>> -> memref<32x768xf32, #tpu.memory_space<hbm>>
          %dma_wait3A_245 = arith.constant 32 : i32
          %dma_wait3A_246 = arith.constant 0 : i32
          %dma_wait3A_247 = tpu.memref_slice %arg7[%run_scoped3A_233, %dma_wait3A_245, %dma_wait3A_246] : memref<1025x64x768xf32, #tpu.memory_space<hbm>> -> memref<1x32x768xf32, #tpu.memory_space<hbm>>
          %dma_wait3A_248 = tpu.memref_squeeze %dma_wait3A_247 : memref<1x32x768xf32, #tpu.memory_space<hbm>> -> memref<32x768xf32, #tpu.memory_space<hbm>>
          tpu.wait_dma2 semaphore(%run_scoped3A_234 : memref<!tpu.dma_semaphore, #tpu.memory_space<semaphore_mem>>) src(%arg13 : memref<32x768xf32, #tpu.memory_space<vmem>>) dst(%dma_wait3A_248 : memref<32x768xf32, #tpu.memory_space<hbm>>)
          tpu.yield
        }) : () -> ()
      } else {
      }
      %eq3A_223 = arith.constant -1 : i32
      %eq3A_224 = arith.cmpi eq, %get3A_217, %eq3A_223 : i32
      %convert_element_type3A_225 = arith.extui %eq3A_224 : i1 to i32
      %cond3A_226 = arith.constant 0 : i32
      %cond3A_227 = arith.cmpi ne, %convert_element_type3A_225, %cond3A_226 : i32
      scf.if %cond3A_227 {
        %run_scoped3A = arith.constant 1024 : i32
        "tpu.region"() ({
          %run_scoped3A_234 = tpu.sem_alloc : memref<!tpu.dma_semaphore, #tpu.memory_space<semaphore_mem>>
          %dma_start3A = arith.constant 0 : i32
          %dma_start3A_235 = arith.constant 0 : i32
          %dma_start3A_236 = tpu.memref_slice %arg7[%run_scoped3A, %dma_start3A, %dma_start3A_235] : memref<1025x64x768xf32, #tpu.memory_space<hbm>> -> memref<1x32x768xf32, #tpu.memory_space<hbm>>
          %dma_start3A_237 = tpu.memref_squeeze %dma_start3A_236 : memref<1x32x768xf32, #tpu.memory_space<hbm>> -> memref<32x768xf32, #tpu.memory_space<hbm>>
          %dma_start3A_238 = arith.constant 0 : i32
          %dma_start3A_239 = arith.constant 0 : i32
          %dma_start3A_240 = tpu.memref_slice %arg7[%run_scoped3A, %dma_start3A_238, %dma_start3A_239] : memref<1025x64x768xf32, #tpu.memory_space<hbm>> -> memref<1x32x768xf32, #tpu.memory_space<hbm>>
          %dma_start3A_241 = tpu.memref_squeeze %dma_start3A_240 : memref<1x32x768xf32, #tpu.memory_space<hbm>> -> memref<32x768xf32, #tpu.memory_space<hbm>>
          tpu.enqueue_dma source(%arg14 : memref<32x768xf32, #tpu.memory_space<vmem>>) target(%dma_start3A_241 : memref<32x768xf32, #tpu.memory_space<hbm>>) target_semaphore(%run_scoped3A_234 : memref<!tpu.dma_semaphore, #tpu.memory_space<semaphore_mem>>)
          %dma_wait3A = arith.constant 0 : i32
          %dma_wait3A_242 = arith.constant 0 : i32
          %dma_wait3A_243 = tpu.memref_slice %arg7[%run_scoped3A, %dma_wait3A, %dma_wait3A_242] : memref<1025x64x768xf32, #tpu.memory_space<hbm>> -> memref<1x32x768xf32, #tpu.memory_space<hbm>>
          %dma_wait3A_244 = tpu.memref_squeeze %dma_wait3A_243 : memref<1x32x768xf32, #tpu.memory_space<hbm>> -> memref<32x768xf32, #tpu.memory_space<hbm>>
          %dma_wait3A_245 = arith.constant 0 : i32
          %dma_wait3A_246 = arith.constant 0 : i32
          %dma_wait3A_247 = tpu.memref_slice %arg7[%run_scoped3A, %dma_wait3A_245, %dma_wait3A_246] : memref<1025x64x768xf32, #tpu.memory_space<hbm>> -> memref<1x32x768xf32, #tpu.memory_space<hbm>>
          %dma_wait3A_248 = tpu.memref_squeeze %dma_wait3A_247 : memref<1x32x768xf32, #tpu.memory_space<hbm>> -> memref<32x768xf32, #tpu.memory_space<hbm>>
          tpu.wait_dma2 semaphore(%run_scoped3A_234 : memref<!tpu.dma_semaphore, #tpu.memory_space<semaphore_mem>>) src(%arg14 : memref<32x768xf32, #tpu.memory_space<vmem>>) dst(%dma_wait3A_248 : memref<32x768xf32, #tpu.memory_space<hbm>>)
          tpu.yield
        }) : () -> ()
        %run_scoped3A_233 = arith.constant 1024 : i32
        "tpu.region"() ({
          %run_scoped3A_234 = tpu.sem_alloc : memref<!tpu.dma_semaphore, #tpu.memory_space<semaphore_mem>>
          %dma_start3A = arith.constant 32 : i32
          %dma_start3A_235 = arith.constant 0 : i32
          %dma_start3A_236 = tpu.memref_slice %arg7[%run_scoped3A_233, %dma_start3A, %dma_start3A_235] : memref<1025x64x768xf32, #tpu.memory_space<hbm>> -> memref<1x32x768xf32, #tpu.memory_space<hbm>>
          %dma_start3A_237 = tpu.memref_squeeze %dma_start3A_236 : memref<1x32x768xf32, #tpu.memory_space<hbm>> -> memref<32x768xf32, #tpu.memory_space<hbm>>
          %dma_start3A_238 = arith.constant 32 : i32
          %dma_start3A_239 = arith.constant 0 : i32
          %dma_start3A_240 = tpu.memref_slice %arg7[%run_scoped3A_233, %dma_start3A_238, %dma_start3A_239] : memref<1025x64x768xf32, #tpu.memory_space<hbm>> -> memref<1x32x768xf32, #tpu.memory_space<hbm>>
          %dma_start3A_241 = tpu.memref_squeeze %dma_start3A_240 : memref<1x32x768xf32, #tpu.memory_space<hbm>> -> memref<32x768xf32, #tpu.memory_space<hbm>>
          tpu.enqueue_dma source(%arg14 : memref<32x768xf32, #tpu.memory_space<vmem>>) target(%dma_start3A_241 : memref<32x768xf32, #tpu.memory_space<hbm>>) target_semaphore(%run_scoped3A_234 : memref<!tpu.dma_semaphore, #tpu.memory_space<semaphore_mem>>)
          %dma_wait3A = arith.constant 32 : i32
          %dma_wait3A_242 = arith.constant 0 : i32
          %dma_wait3A_243 = tpu.memref_slice %arg7[%run_scoped3A_233, %dma_wait3A, %dma_wait3A_242] : memref<1025x64x768xf32, #tpu.memory_space<hbm>> -> memref<1x32x768xf32, #tpu.memory_space<hbm>>
          %dma_wait3A_244 = tpu.memref_squeeze %dma_wait3A_243 : memref<1x32x768xf32, #tpu.memory_space<hbm>> -> memref<32x768xf32, #tpu.memory_space<hbm>>
          %dma_wait3A_245 = arith.constant 32 : i32
          %dma_wait3A_246 = arith.constant 0 : i32
          %dma_wait3A_247 = tpu.memref_slice %arg7[%run_scoped3A_233, %dma_wait3A_245, %dma_wait3A_246] : memref<1025x64x768xf32, #tpu.memory_space<hbm>> -> memref<1x32x768xf32, #tpu.memory_space<hbm>>
          %dma_wait3A_248 = tpu.memref_squeeze %dma_wait3A_247 : memref<1x32x768xf32, #tpu.memory_space<hbm>> -> memref<32x768xf32, #tpu.memory_space<hbm>>
          tpu.wait_dma2 semaphore(%run_scoped3A_234 : memref<!tpu.dma_semaphore, #tpu.memory_space<semaphore_mem>>) src(%arg14 : memref<32x768xf32, #tpu.memory_space<vmem>>) dst(%dma_wait3A_248 : memref<32x768xf32, #tpu.memory_space<hbm>>)
          tpu.yield
        }) : () -> ()
      } else {
      }
      %ge3A_228 = arith.constant 0 : i32
      %ge3A_229 = arith.cmpi sge, %get3A_217, %ge3A_228 : i32
      %convert_element_type3A_230 = arith.extui %ge3A_229 : i1 to i32
      %cond3A_231 = arith.constant 0 : i32
      %cond3A_232 = arith.cmpi ne, %convert_element_type3A_230, %cond3A_231 : i32
      scf.if %cond3A_232 {
        "tpu.region"() ({
          %run_scoped3A_234 = tpu.sem_alloc : memref<!tpu.dma_semaphore, #tpu.memory_space<semaphore_mem>>
          %dma_start3A = arith.constant 0 : i32
          %dma_start3A_235 = arith.constant 0 : i32
          %dma_start3A_236 = tpu.memref_slice %arg2[%get3A_217, %dma_start3A, %dma_start3A_235] : memref<257x64x768xf32, #tpu.memory_space<hbm>> -> memref<1x32x768xf32, #tpu.memory_space<hbm>>
          %dma_start3A_237 = tpu.memref_squeeze %dma_start3A_236 : memref<1x32x768xf32, #tpu.memory_space<hbm>> -> memref<32x768xf32, #tpu.memory_space<hbm>>
          %dma_start3A_238 = arith.constant 0 : i32
          %dma_start3A_239 = arith.constant 0 : i32
          %dma_start3A_240 = tpu.memref_slice %arg2[%get3A_217, %dma_start3A_238, %dma_start3A_239] : memref<257x64x768xf32, #tpu.memory_space<hbm>> -> memref<1x32x768xf32, #tpu.memory_space<hbm>>
          %dma_start3A_241 = tpu.memref_squeeze %dma_start3A_240 : memref<1x32x768xf32, #tpu.memory_space<hbm>> -> memref<32x768xf32, #tpu.memory_space<hbm>>
          tpu.enqueue_dma source(%dma_start3A_241 : memref<32x768xf32, #tpu.memory_space<hbm>>) target(%arg15 : memref<32x768xf32, #tpu.memory_space<vmem>>) target_semaphore(%run_scoped3A_234 : memref<!tpu.dma_semaphore, #tpu.memory_space<semaphore_mem>>)
          %dma_wait3A = arith.constant 0 : i32
          %dma_wait3A_242 = arith.constant 0 : i32
          %dma_wait3A_243 = tpu.memref_slice %arg2[%get3A_217, %dma_wait3A, %dma_wait3A_242] : memref<257x64x768xf32, #tpu.memory_space<hbm>> -> memref<1x32x768xf32, #tpu.memory_space<hbm>>
          %dma_wait3A_244 = tpu.memref_squeeze %dma_wait3A_243 : memref<1x32x768xf32, #tpu.memory_space<hbm>> -> memref<32x768xf32, #tpu.memory_space<hbm>>
          %dma_wait3A_245 = arith.constant 0 : i32
          %dma_wait3A_246 = arith.constant 0 : i32
          %dma_wait3A_247 = tpu.memref_slice %arg2[%get3A_217, %dma_wait3A_245, %dma_wait3A_246] : memref<257x64x768xf32, #tpu.memory_space<hbm>> -> memref<1x32x768xf32, #tpu.memory_space<hbm>>
          %dma_wait3A_248 = tpu.memref_squeeze %dma_wait3A_247 : memref<1x32x768xf32, #tpu.memory_space<hbm>> -> memref<32x768xf32, #tpu.memory_space<hbm>>
          tpu.wait_dma2 semaphore(%run_scoped3A_234 : memref<!tpu.dma_semaphore, #tpu.memory_space<semaphore_mem>>) src(%dma_wait3A_248 : memref<32x768xf32, #tpu.memory_space<hbm>>) dst(%arg15 : memref<32x768xf32, #tpu.memory_space<vmem>>)
          tpu.yield
        }) : () -> ()
        "tpu.region"() ({
          %run_scoped3A_234 = tpu.sem_alloc : memref<!tpu.dma_semaphore, #tpu.memory_space<semaphore_mem>>
          %dma_start3A = arith.constant 32 : i32
          %dma_start3A_235 = arith.constant 0 : i32
          %dma_start3A_236 = tpu.memref_slice %arg2[%get3A_217, %dma_start3A, %dma_start3A_235] : memref<257x64x768xf32, #tpu.memory_space<hbm>> -> memref<1x32x768xf32, #tpu.memory_space<hbm>>
          %dma_start3A_237 = tpu.memref_squeeze %dma_start3A_236 : memref<1x32x768xf32, #tpu.memory_space<hbm>> -> memref<32x768xf32, #tpu.memory_space<hbm>>
          %dma_start3A_238 = arith.constant 32 : i32
          %dma_start3A_239 = arith.constant 0 : i32
          %dma_start3A_240 = tpu.memref_slice %arg2[%get3A_217, %dma_start3A_238, %dma_start3A_239] : memref<257x64x768xf32, #tpu.memory_space<hbm>> -> memref<1x32x768xf32, #tpu.memory_space<hbm>>
          %dma_start3A_241 = tpu.memref_squeeze %dma_start3A_240 : memref<1x32x768xf32, #tpu.memory_space<hbm>> -> memref<32x768xf32, #tpu.memory_space<hbm>>
          tpu.enqueue_dma source(%dma_start3A_241 : memref<32x768xf32, #tpu.memory_space<hbm>>) target(%arg16 : memref<32x768xf32, #tpu.memory_space<vmem>>) target_semaphore(%run_scoped3A_234 : memref<!tpu.dma_semaphore, #tpu.memory_space<semaphore_mem>>)
          %dma_wait3A = arith.constant 32 : i32
          %dma_wait3A_242 = arith.constant 0 : i32
          %dma_wait3A_243 = tpu.memref_slice %arg2[%get3A_217, %dma_wait3A, %dma_wait3A_242] : memref<257x64x768xf32, #tpu.memory_space<hbm>> -> memref<1x32x768xf32, #tpu.memory_space<hbm>>
          %dma_wait3A_244 = tpu.memref_squeeze %dma_wait3A_243 : memref<1x32x768xf32, #tpu.memory_space<hbm>> -> memref<32x768xf32, #tpu.memory_space<hbm>>
          %dma_wait3A_245 = arith.constant 32 : i32
          %dma_wait3A_246 = arith.constant 0 : i32
          %dma_wait3A_247 = tpu.memref_slice %arg2[%get3A_217, %dma_wait3A_245, %dma_wait3A_246] : memref<257x64x768xf32, #tpu.memory_space<hbm>> -> memref<1x32x768xf32, #tpu.memory_space<hbm>>
          %dma_wait3A_248 = tpu.memref_squeeze %dma_wait3A_247 : memref<1x32x768xf32, #tpu.memory_space<hbm>> -> memref<32x768xf32, #tpu.memory_space<hbm>>
          tpu.wait_dma2 semaphore(%run_scoped3A_234 : memref<!tpu.dma_semaphore, #tpu.memory_space<semaphore_mem>>) src(%dma_wait3A_248 : memref<32x768xf32, #tpu.memory_space<hbm>>) dst(%arg16 : memref<32x768xf32, #tpu.memory_space<vmem>>)
          tpu.yield
        }) : () -> ()
        %run_scoped3A = arith.constant 1024 : i32
        "tpu.region"() ({
          %run_scoped3A_234 = tpu.sem_alloc : memref<!tpu.dma_semaphore, #tpu.memory_space<semaphore_mem>>
          %dma_start3A = arith.constant 0 : i32
          %dma_start3A_235 = arith.constant 0 : i32
          %dma_start3A_236 = tpu.memref_slice %arg7[%run_scoped3A, %dma_start3A, %dma_start3A_235] : memref<1025x64x768xf32, #tpu.memory_space<hbm>> -> memref<1x32x768xf32, #tpu.memory_space<hbm>>
          %dma_start3A_237 = tpu.memref_squeeze %dma_start3A_236 : memref<1x32x768xf32, #tpu.memory_space<hbm>> -> memref<32x768xf32, #tpu.memory_space<hbm>>
          %dma_start3A_238 = arith.constant 0 : i32
          %dma_start3A_239 = arith.constant 0 : i32
          %dma_start3A_240 = tpu.memref_slice %arg7[%run_scoped3A, %dma_start3A_238, %dma_start3A_239] : memref<1025x64x768xf32, #tpu.memory_space<hbm>> -> memref<1x32x768xf32, #tpu.memory_space<hbm>>
          %dma_start3A_241 = tpu.memref_squeeze %dma_start3A_240 : memref<1x32x768xf32, #tpu.memory_space<hbm>> -> memref<32x768xf32, #tpu.memory_space<hbm>>
          tpu.enqueue_dma source(%arg15 : memref<32x768xf32, #tpu.memory_space<vmem>>) target(%dma_start3A_241 : memref<32x768xf32, #tpu.memory_space<hbm>>) target_semaphore(%run_scoped3A_234 : memref<!tpu.dma_semaphore, #tpu.memory_space<semaphore_mem>>)
          %dma_wait3A = arith.constant 0 : i32
          %dma_wait3A_242 = arith.constant 0 : i32
          %dma_wait3A_243 = tpu.memref_slice %arg7[%run_scoped3A, %dma_wait3A, %dma_wait3A_242] : memref<1025x64x768xf32, #tpu.memory_space<hbm>> -> memref<1x32x768xf32, #tpu.memory_space<hbm>>
          %dma_wait3A_244 = tpu.memref_squeeze %dma_wait3A_243 : memref<1x32x768xf32, #tpu.memory_space<hbm>> -> memref<32x768xf32, #tpu.memory_space<hbm>>
          %dma_wait3A_245 = arith.constant 0 : i32
          %dma_wait3A_246 = arith.constant 0 : i32
          %dma_wait3A_247 = tpu.memref_slice %arg7[%run_scoped3A, %dma_wait3A_245, %dma_wait3A_246] : memref<1025x64x768xf32, #tpu.memory_space<hbm>> -> memref<1x32x768xf32, #tpu.memory_space<hbm>>
          %dma_wait3A_248 = tpu.memref_squeeze %dma_wait3A_247 : memref<1x32x768xf32, #tpu.memory_space<hbm>> -> memref<32x768xf32, #tpu.memory_space<hbm>>
          tpu.wait_dma2 semaphore(%run_scoped3A_234 : memref<!tpu.dma_semaphore, #tpu.memory_space<semaphore_mem>>) src(%arg15 : memref<32x768xf32, #tpu.memory_space<vmem>>) dst(%dma_wait3A_248 : memref<32x768xf32, #tpu.memory_space<hbm>>)
          tpu.yield
        }) : () -> ()
        %run_scoped3A_233 = arith.constant 1024 : i32
        "tpu.region"() ({
          %run_scoped3A_234 = tpu.sem_alloc : memref<!tpu.dma_semaphore, #tpu.memory_space<semaphore_mem>>
          %dma_start3A = arith.constant 32 : i32
          %dma_start3A_235 = arith.constant 0 : i32
          %dma_start3A_236 = tpu.memref_slice %arg7[%run_scoped3A_233, %dma_start3A, %dma_start3A_235] : memref<1025x64x768xf32, #tpu.memory_space<hbm>> -> memref<1x32x768xf32, #tpu.memory_space<hbm>>
          %dma_start3A_237 = tpu.memref_squeeze %dma_start3A_236 : memref<1x32x768xf32, #tpu.memory_space<hbm>> -> memref<32x768xf32, #tpu.memory_space<hbm>>
          %dma_start3A_238 = arith.constant 32 : i32
          %dma_start3A_239 = arith.constant 0 : i32
          %dma_start3A_240 = tpu.memref_slice %arg7[%run_scoped3A_233, %dma_start3A_238, %dma_start3A_239] : memref<1025x64x768xf32, #tpu.memory_space<hbm>> -> memref<1x32x768xf32, #tpu.memory_space<hbm>>
          %dma_start3A_241 = tpu.memref_squeeze %dma_start3A_240 : memref<1x32x768xf32, #tpu.memory_space<hbm>> -> memref<32x768xf32, #tpu.memory_space<hbm>>
          tpu.enqueue_dma source(%arg16 : memref<32x768xf32, #tpu.memory_space<vmem>>) target(%dma_start3A_241 : memref<32x768xf32, #tpu.memory_space<hbm>>) target_semaphore(%run_scoped3A_234 : memref<!tpu.dma_semaphore, #tpu.memory_space<semaphore_mem>>)
          %dma_wait3A = arith.constant 32 : i32
          %dma_wait3A_242 = arith.constant 0 : i32
          %dma_wait3A_243 = tpu.memref_slice %arg7[%run_scoped3A_233, %dma_wait3A, %dma_wait3A_242] : memref<1025x64x768xf32, #tpu.memory_space<hbm>> -> memref<1x32x768xf32, #tpu.memory_space<hbm>>
          %dma_wait3A_244 = tpu.memref_squeeze %dma_wait3A_243 : memref<1x32x768xf32, #tpu.memory_space<hbm>> -> memref<32x768xf32, #tpu.memory_space<hbm>>
          %dma_wait3A_245 = arith.constant 32 : i32
          %dma_wait3A_246 = arith.constant 0 : i32
          %dma_wait3A_247 = tpu.memref_slice %arg7[%run_scoped3A_233, %dma_wait3A_245, %dma_wait3A_246] : memref<1025x64x768xf32, #tpu.memory_space<hbm>> -> memref<1x32x768xf32, #tpu.memory_space<hbm>>
          %dma_wait3A_248 = tpu.memref_squeeze %dma_wait3A_247 : memref<1x32x768xf32, #tpu.memory_space<hbm>> -> memref<32x768xf32, #tpu.memory_space<hbm>>
          tpu.wait_dma2 semaphore(%run_scoped3A_234 : memref<!tpu.dma_semaphore, #tpu.memory_space<semaphore_mem>>) src(%arg16 : memref<32x768xf32, #tpu.memory_space<vmem>>) dst(%dma_wait3A_248 : memref<32x768xf32, #tpu.memory_space<hbm>>)
          tpu.yield
        }) : () -> ()
      } else {
      }
    } else {
    }
    return
  }
}

</mosaic_0001>

<sc_bundles>
// kernel: kernel.3.cloned.1.call-start
scs
__scs_entry_jumppad:
0x0: {  	(pc) =	sbr.rel $0x88, $3  }
0x1: {  	(tag) =	ssettag $0x0;
	lr =	simm.s32 $0x1  }
0x2: {  	[smem:$0x3F9C] =	sst lr;
	_ =	strace $0xD0000000  }
0x3: {  	_ = 	snop  }
0x4: {  	_ = 	snop  }
0x5: {  	_ = 	snop  }
0x6: {  	_ = 	snop  }
0x7: {  	_ = 	snop  }
__scs_overlays_trampoline_lowered:
0x8: {  	[smem:$0x3FAB] =	sst s0  }
0x9: {  	[smem:$0x3FAC] =	sst s1  }
0xa: {  	[smem:$0x3FAD] =	sst s2  }
0xb: {  	[smem:$0x3FAE] =	sst s3  }
0xc: {  	[smem:$0x3FAF] =	sst s4  }
0xd: {  	[smem:$0x3FB0] =	sst s5  }
0xe: {  	[smem:$0x3FB1] =	sst s6  }
0xf: {  	[smem:$0x3FB2] =	sst s7  }
0x10: {  	[smem:$0x3FB3] =	sst s8  }
0x11: {  	[smem:$0x3FB4] =	sst s9;
	s0 =	simm.s32 @!p0 $0x0  }
0x12: {  	s1 =	sld [smem:$0x3F9A];
	s0 =	simm.s32 @p0 $0x1  }
0x13: {  	[smem:$0x3FB5] =	sst s0;
	s0 =	simm.s32 @!p1 $0x0  }
0x14: {  	s2 =	sld [smem:$0x3F99];
	s0 =	simm.s32 @p1 $0x1  }
0x15: {  	[smem:$0x3FB6] =	sst s0;
	s0 =	simm.s32 @!p2 $0x0  }
0x16: {  	s3 =	sld [smem:$0x3FDB];
	s0 =	simm.s32 @p2 $0x1  }
0x17: {  	s4 =	simm.s32 $0x1BF5;
	[smem:$0x3FB8] =	sst s0  }
0x18: {  	s0 =	sld [smem:$0x3F9B];
	_ =	swait.ge [sflag:s4], $0x0  }
0x19: {  	s7 =	sld [smem:$0x3F9C]  }
0x1a: {  	s8 =	sadd.s32 $0xFFFFE003, lr  }
0x1b: {  	s9 =	sadd.s32 $0xFFFFFEF7, lr;
	s5 =	simm.s32 $0xFFFFFFFF;
	p2 =	slt.u32 s8, $0xFFFFF086  }
0x1c: {  	p1 =	slt.u32 s9, $0xF7A;
	s5 =	simm.s32 @!p2 $0x0  }
0x1d: {  	s5 =	simm.s32 @p1 $0x1;
	p0 =	seq.s32 s7, s2  }
0x1e: {  	s7 =	smul.u32 @!p0 $0xF7A, s2;
	p2 =	seq.s32 @!p0 s5, $0x0  }
0x1f: {  	s9 =	smul.u32 $0xF7A, s1;
	s8 =	simm.s32 @!p0 $0x1BF5;
	p2 =	por !p2, p0  }
0x20: {  	[sflag:s8] =	ssyncset.s32 @!p0 $0xFFFFF086;
	s6 =	sadd.s32 @!p0 s3, s7;
	s7 =	simm.s32 @!p0 $0x108  }
0x21: {  	s3 =	sadd.s32 s3, s9;
	s6 =	sadd.s32 @!p0 $0x88, s6;
	s7 =	simm.s32 @p2 $0x1082  }
0x22: {  	[simem:s7], [sflag:s8] =	dma.local @!p0 [hbm:s6], $0xF7A  }
0x23: {  	s9 =	sor.u32 $0xD0000000, s2;
	s6 =	simm.s32 $0x108;
	_ =	swait.ge @!p0 [sflag:s8], $0x0  }
0x24: {  	s3 =	sadd.s32 $0x88, s3;
	s6 =	simm.s32 @!p1 $0x1082;
	[sflag:s4] =	ssyncset.s32 $0xFFFFF086  }
0x25: {  	[simem:s6], [sflag:s4] =	dma.local [hbm:s3], $0xF7A  }
0x26: {  	[smem:$0x3F9C] =	sst s1;
	(tag) =	ssettag s2;
	_ =	strace s9  }
0x27: {  	s1 =	sld [smem:$0x3FAC]  }
0x28: {  	s2 =	sld [smem:$0x3FAD]  }
0x29: {  	s4 =	sld [smem:$0x3FAF]  }
0x2a: {  	p0 =	seq.s32 s5, $0x0;
	s5 =	sld [smem:$0x3FB0]  }
0x2b: {  	s6 =	sld [smem:$0x3FB1]  }
0x2c: {  	s7 =	sld [smem:$0x3FB2]  }
0x2d: {  	s3 =	simm.s32 $0x108;
	s8 =	sld [smem:$0x3FB3]  }
0x2e: {  	s3 =	simm.s32 @!p0 $0x1082;
	s9 =	sld [smem:$0x3FB4]  }
0x2f: {  	lr =	sadd.s32 s0, s3;
	s0 =	sld [smem:$0x3FAB]  }
0x30: {  	s3 =	sld [smem:$0x3FAE]  }
0x31: {  	[smem:$0x3FB7] =	sst s10  }
0x32: {  	s10 =	sld [smem:$0x3FB5];
	_ =	sdelay $0x3  }
0x33: {  	p0 =	seq.s32 s10, $0x1;
	s10 =	sld [smem:$0x3FB7];
	_ =	sdelay $0x3  }
0x34: {  	[smem:$0x3FB7] =	sst s10  }
0x35: {  	s10 =	sld [smem:$0x3FB6];
	_ =	sdelay $0x3  }
0x36: {  	p1 =	seq.s32 s10, $0x1;
	s10 =	sld [smem:$0x3FB7];
	_ =	sdelay $0x3  }
0x37: {  	[smem:$0x3FB7] =	sst s10  }
0x38: {  	s10 =	sld [smem:$0x3FB8]  }
0x39: {  	_ = 	snop;
	(pc) =	sbr.ind lr, $3  }
0x3a: {  	_ = 	snop  }
0x3b: {  	_ = 	snop  }
0x3c: {  	p2 =	seq.s32 s10, $0x1;
	s10 =	sld [smem:$0x3FB7]  }
0x3d: {  	_ =	shalt  }
0x3e: {  	_ =	shalt  }
0x3f: {  	_ =	shalt  }
0x40: {  	_ =	shalt  }
0x41: {  	_ =	shalt  }
0x42: {  	_ =	shalt  }
0x43: {  	_ =	shalt  }
0x44: {  	_ =	shalt  }
0x45: {  	_ =	shalt  }
0x46: {  	_ =	shalt  }
0x47: {  	_ =	shalt  }
0x48: {  	_ =	shalt  }
0x49: {  	_ =	shalt  }
0x4a: {  	_ =	shalt  }
0x4b: {  	_ =	shalt  }
0x4c: {  	_ =	shalt  }
0x4d: {  	_ =	shalt  }
0x4e: {  	_ =	shalt  }
0x4f: {  	_ =	shalt  }
0x50: {  	_ =	shalt  }
0x51: {  	_ =	shalt  }
0x52: {  	_ =	shalt  }
0x53: {  	_ =	shalt  }
0x54: {  	_ =	shalt  }
0x55: {  	_ =	shalt  }
0x56: {  	_ =	shalt  }
0x57: {  	_ =	shalt  }
0x58: {  	_ =	shalt  }
0x59: {  	_ =	shalt  }
0x5a: {  	_ =	shalt  }
0x5b: {  	_ =	shalt  }
0x5c: {  	_ =	shalt  }
0x5d: {  	_ =	shalt  }
0x5e: {  	_ =	shalt  }
0x5f: {  	_ =	shalt  }
0x60: {  	_ =	shalt  }
0x61: {  	_ =	shalt  }
0x62: {  	_ =	shalt  }
0x63: {  	_ =	shalt  }
0x64: {  	_ =	shalt  }
0x65: {  	_ =	shalt  }
0x66: {  	_ =	shalt  }
0x67: {  	_ =	shalt  }
0x68: {  	_ =	shalt  }
0x69: {  	_ =	shalt  }
0x6a: {  	_ =	shalt  }
0x6b: {  	_ =	shalt  }
0x6c: {  	_ =	shalt  }
0x6d: {  	_ =	shalt  }
0x6e: {  	_ =	shalt  }
0x6f: {  	_ =	shalt  }
0x70: {  	_ =	shalt  }
0x71: {  	_ =	shalt  }
0x72: {  	_ =	shalt  }
0x73: {  	_ =	shalt  }
0x74: {  	_ =	shalt  }
0x75: {  	_ =	shalt  }
0x76: {  	_ =	shalt  }
0x77: {  	_ =	shalt  }
0x78: {  	_ =	shalt  }
0x79: {  	_ =	shalt  }
0x7a: {  	_ =	shalt  }
0x7b: {  	_ =	shalt  }
0x7c: {  	_ =	shalt  }
0x7d: {  	_ =	shalt  }
0x7e: {  	_ =	shalt  }
0x7f: {  	_ =	shalt  }
0x80: {  	_ =	shalt  }
0x81: {  	_ =	shalt  }
0x82: {  	_ =	shalt  }
0x83: {  	_ =	shalt  }
0x84: {  	_ =	shalt  }
0x85: {  	_ =	shalt  }
0x86: {  	_ =	shalt  }
0x87: {  	_ =	shalt  }
.Lfunc_end0:
.L_simem_size_0:
called_computation_lowered:
.L_overlay_start_0:
0x88: {  	s2 =	sld [smem:$0x3FD9]  }
0x89: {  	s3 =	sld [smem:$0x3FFE];
	_ =	sdelay $0x1  }
0x8a: {  	s1 =	srdreg.scid  }
0x8b: {  	s0 =	sand.u32 $0x1, s1  }
0x8c: {  	s17 =	sshll.u32 s0, $0xA;
	s2 =	sadd.s32 s3, s2  }
0x8d: {  	s2 =	sadd.s32 s2, s17  }
0x8e: {  	[smem:$0x3FC3] =	sst s2  }
0x8f: {  	_ = 	snop  }
0x90: {  	s2 =	sld [smem:$0x3FC9]  }
0x91: {  	s18 =	sld [smem:$0x3FC8]  }
0x92: {  	s4 =	sld [smem:$0x3FC7]  }
0x93: {  	s5 =	sld [smem:$0x3FC5]  }
0x94: {  	s6 =	sld [smem:$0x3FD0];
	(tm) =	ssettm $0x1  }
0x95: {  	s7 =	sld [smem:$0x3FFB];
	_ =	sdelay $0x3  }
0x96: {  	_ =	strace s7  }
0x97: {  	s7 =	sld [smem:$0x3FFC];
	_ =	sdelay $0x3  }
0x98: {  	_ =	strace s7  }
0x99: {  	s7 =	sld [smem:$0x3FFD];
	_ =	sdelay $0x3  }
0x9a: {  	_ =	strace s7  }
0x9b: {  	_ =	strace $0x8FFFFFFF  }
0x9c: {  	s19 =	sld [smem:$0x3FDB];
	_ =	sdelay $0x1  }
0x9d: {  	s8 =	simm.s32 $_scs_section_size  }
0x9e: {  	s9 =	simm.s32 $_size__tile_overlayer_lowered;
	s10 =	simm.s32 $_tile_overlayer_lowered  }
0x9f: {  	s22 =	simm.s32 $0x1BFF;
	s21 =	sshll.u32 s10, $0x1;
	s7 =	sadd.s32 s8, s19  }
0xa0: {  	s11 =	simm.s32 $0x0;
	s20 =	sshll.u32 s9, $0x1;
	s9 =	sadd.s32 s21, s7  }
0xa1: {  	[timem:s11], [sflag:s22] =	dma.local [hbm:s9], s20  }
0xa2: {  	_ =	swait.ge [sflag:s22], s20  }
0xa3: {  	s8 =	ssub.s32 $0x0, s20;
	[sflag:s22] =	ssyncset.done $0x0  }
0xa4: {  	[sflag:s22] =	ssyncadd.s32 s8;
	_ =	sdelay $0x1  }
0xa5: {  	s23 =	simm.s32 $0x1B8B  }
0xa6: {  	_ =	swait.ge [sflag:s23], $0x1  }
0xa7: {  	[sflag:s23] =	ssyncset.done $0x0  }
0xa8: {  	s25 =	simm.s32 $0x1B8E;
	s24 =	sld [smem:$0x3FFE];
	[sflag:s23] =	ssyncadd.s32 $0xFFFFFFFF  }
0xa9: {  	s26 =	simm.s32 $execute0_lowered;
	[smem:$0x3FD2] =	sst s25  }
0xaa: {  	s9 =	sshll.u32 s26, $0x1;
	_ =	strace $0x80000046;
	[dreg:$0x1] =	wrdreg $0xFFFFFFFF  }
0xab: {  	s28 =	simm.s32 $_size_execute0_lowered;
	s7 =	sadd.s32 s7, s9;
	[dreg:$0x0] =	wrdreg $0x0  }
0xac: {  	s9 =	sshll.u32 s28, $0x1;
	[dreg:$0x2] =	wrdreg s7  }
0xad: {  	[dreg:$0x3] =	wrdreg s9  }
0xae: {  	[dreg:$0x4] =	wrdreg $0xC0  }
0xaf: {  	_ =	task [dreg:s11], $0x5FFFF  }
0xb0: {  	[dreg:$0x1] =	wrdreg $0xFFFFFFFF  }
0xb1: {  	[dreg:$0x0] =	wrdreg $0x60  }
0xb2: {  	[dreg:$0x2] =	wrdreg s2  }
0xb3: {  	[dreg:$0x3] =	wrdreg s18  }
0xb4: {  	[dreg:$0x4] =	wrdreg s4  }
0xb5: {  	[dreg:$0x5] =	wrdreg s24  }
0xb6: {  	[dreg:$0x6] =	wrdreg s5  }
0xb7: {  	[dreg:$0x7] =	wrdreg s6  }
0xb8: {  	[dreg:$0x8] =	wrdreg $0x9  }
0xb9: {  	_ =	task.clear_ibuf [dreg:s11], $0x9FFFF;
	_ =	strace $0x90000046  }
0xba: {  	s29 =	simm.s32 $0x9;
	_ =	strace $0x80000048  }
0xbb: {  	_ =	swait.ge [sflag:s29], $0x1  }
0xbc: {  	[sflag:s29] =	ssyncadd.s32 $0xFFFFFFFF  }
0xbd: {  	_ =	strace $0x90000048  }
0xbe: {  	_ =	sfence  }
0xbf: {  	s30 =	sld [smem:$0x0];
	_ =	sdelay $0x2  }
0xc0: {  	s31 =	sshll.u32 s1, $0xD;
	s1 =	sshrl.u32 s1, $0x2  }
0xc1: {  	s3 =	sand.u32 $0x4000, s31;
	s1 =	sadd.s32 s1, s30  }
0xc2: {  	s0 =	sor.u32 s3, s0;
	s1 =	sshll.u32 s1, $0x11  }
0xc3: {  	s0 =	sor.u32 s1, s0  }
0xc4: {  	s0 =	sadd.s32 $0x8F2B, s0  }
0xc5: {  	[sflag:s0] =	ssyncadd.remote.s32 $0x1  }
0xc6: {  	_ =	sfence.sel $0xFFFF  }
0xc7: {  	[dreg:$0x0] =	wrdreg $0xFFFFFFFF;
	(pc) =	sbr.abs _section_cstart, $3  }
0xc8: {  	[dreg:$0x1] =	wrdreg $0xFFFFFFFF  }
0xc9: {  	_ =	task.clear_ibuf [dreg:s11], $0x2FFFF;
	_ =	strace $0x9FFFFFFF  }
0xca: {  	(tm) =	ssettm $0x7FFFFFFF  }
0xcb: {  	_ =	shalt  }
tec
execute0_lowered:
.L_overlay_start_1:
0x0: {  	(tag) =	ssettag $0x1  }
0x1: {  	s0 =	rddreg [dreg:$0x0]  }
0x2: {  	s2 =	rddreg [dreg:$0x1]  }
0x3: {  	s3 =	rddreg [dreg:$0x2]  }
0x4: {  	s4 =	rddreg [dreg:$0x3]  }
0x5: {  	s5 =	rddreg [dreg:$0x4]  }
0x6: {  	s14 =	rddreg [dreg:$0x5];
	s6 =	srdreg.scid  }
0x7: {  	s7 =	simm.s32 $0x0;
	s1 =	stileid.u32;
	s18 =	simm.s32 $0x400  }
0x8: {  	s19 =	simm.s32 $0x700;
	s20 =	simm.s32 $0xFFFFFFFF;
	s21 =	simm.s32 $0xFFFFFFFE  }
0x9: {  	s22 =	simm.s32 $0x6780;
	s13 =	sand.u32 $0x1, s6;
	[smem:$0x7FF] =	sst s7  }
0xa: {  	s10 =	sshll.u32 s1, $0x1;
	s15 =	smul.u32 $0x300000, s1;
	s12 =	sshll.u32 s1, $0x6  }
0xb: {  	s31 =	sshll.u32 s1, $0x8;
	s8 =	ssub.s32 $0x2, s13;
	_ =	strace $0x80000047  }
0xc: {  	s23 =	sor.u32 s13, s10;
	s16 =	smul.u32 $0x180000, s13;
	s10 =	sadd.s32 $0x600C00, s14  }
0xd: {  	s17 =	sshll.u32 s13, $0x5;
	s13 =	sshll.u32 s13, $0x7;
	s9 =	sshrl.u32 s8, $0x1  }
0xe: {  	s12 =	sor.u32 s17, s12;
	s17 =	sor.u32 s13, s31;
	p0 =	sne.s32 s23, $0x0  }
.Ltmp0:
0xf: {  	s11 =	ssub.s32 s8, s9;
	s15 =	sadd.s32 s16, s15;
	(pc) =	sbr.rel .LBB2_1-.Ltmp0, $4  }
0x10: {  	s8 =	sshll.u32 s23, $0x5;
	s9 =	sadd.s32 $0x600000, s14;
	s16 =	sor.u32 $0x6000, s15  }
0x11: {  	s23 =	simm.s32 $0x0;
	s15 =	sshrl.u32 s15, $0x3;
	s16 =	sshrl.u32 s16, $0x3  }
0x12: {  	s11 =	smax.u32 s11, $0x1;
	s13 =	sadd.s32 s16, s14;
	s14 =	sadd.s32 s15, s14  }
0x13: {  	v0 =	vimm.f32 $0.0e+00;
	s15 =	sshrl.u32 s17, $0x2;
	s16 =	simm.s32 $0x3;
	s17 =	simm.s32 $0x100  }
.LBB2_18:
0x14: {  	s1 =	sld [smem:s8+$0x1A];
	_ =	sdelay $0x2  }
0x15: {  	p1 =	slt.u32 s1, $0xFFFFFFFE  }
0x16: {  	s1 =	simm.s32 @!p1 $0x1  }
0x17: {  	_ =	swait.ge @!p1 [sflag:s1], $0x6000  }
0x18: {  	[sflag:s1] =	ssyncset.done @!p1 $0x0  }
0x19: {  	[sflag:s1] =	ssyncadd.s32 @!p1 $0xFFFFA000  }
0x1a: {  	_ =	swait.ge @!p1 [sflag:s1], $0x6000  }
0x1b: {  	[sflag:s1] =	ssyncset.done @!p1 $0x0  }
0x1c: {  	[sflag:s1] =	ssyncadd.s32 @!p1 $0xFFFFA000  }
0x1d: {  	s1 =	sld [smem:s8+$0x1B];
	_ =	sdelay $0x2  }
0x1e: {  	p1 =	slt.u32 s1, $0xFFFFFFFE  }
0x1f: {  	s1 =	simm.s32 @!p1 $0x1  }
0x20: {  	_ =	swait.ge @!p1 [sflag:s1], $0x6000  }
0x21: {  	[sflag:s1] =	ssyncset.done @!p1 $0x0  }
0x22: {  	[sflag:s1] =	ssyncadd.s32 @!p1 $0xFFFFA000  }
0x23: {  	_ =	swait.ge @!p1 [sflag:s1], $0x6000  }
0x24: {  	[sflag:s1] =	ssyncset.done @!p1 $0x0  }
0x25: {  	[sflag:s1] =	ssyncadd.s32 @!p1 $0xFFFFA000  }
0x26: {  	s1 =	sld [smem:s8+$0x1C];
	_ =	sdelay $0x2  }
0x27: {  	p1 =	slt.u32 s1, $0xFFFFFFFE  }
0x28: {  	s1 =	simm.s32 @!p1 $0x1  }
0x29: {  	_ =	swait.ge @!p1 [sflag:s1], $0x6000  }
0x2a: {  	[sflag:s1] =	ssyncset.done @!p1 $0x0  }
0x2b: {  	[sflag:s1] =	ssyncadd.s32 @!p1 $0xFFFFA000  }
0x2c: {  	_ =	swait.ge @!p1 [sflag:s1], $0x6000  }
0x2d: {  	[sflag:s1] =	ssyncset.done @!p1 $0x0  }
0x2e: {  	[sflag:s1] =	ssyncadd.s32 @!p1 $0xFFFFA000  }
0x2f: {  	s1 =	sld [smem:s8+$0x1D];
	_ =	sdelay $0x2  }
0x30: {  	p1 =	slt.u32 s1, $0xFFFFFFFE  }
0x31: {  	s1 =	simm.s32 @!p1 $0x1  }
0x32: {  	_ =	swait.ge @!p1 [sflag:s1], $0x6000  }
0x33: {  	[sflag:s1] =	ssyncset.done @!p1 $0x0  }
0x34: {  	[sflag:s1] =	ssyncadd.s32 @!p1 $0xFFFFA000  }
0x35: {  	_ =	swait.ge @!p1 [sflag:s1], $0x6000  }
0x36: {  	[sflag:s1] =	ssyncset.done @!p1 $0x0  }
0x37: {  	[sflag:s1] =	ssyncadd.s32 @!p1 $0xFFFFA000  }
0x38: {  	s1 =	sld [smem:s8+$0x1E];
	_ =	sdelay $0x2  }
0x39: {  	p1 =	slt.u32 s1, $0xFFFFFFFE  }
0x3a: {  	s1 =	simm.s32 @!p1 $0x1  }
0x3b: {  	_ =	swait.ge @!p1 [sflag:s1], $0x6000  }
0x3c: {  	[sflag:s1] =	ssyncset.done @!p1 $0x0  }
0x3d: {  	[sflag:s1] =	ssyncadd.s32 @!p1 $0xFFFFA000  }
0x3e: {  	_ =	swait.ge @!p1 [sflag:s1], $0x6000  }
0x3f: {  	[sflag:s1] =	ssyncset.done @!p1 $0x0  }
0x40: {  	[sflag:s1] =	ssyncadd.s32 @!p1 $0xFFFFA000  }
0x41: {  	s1 =	sld [smem:s8+$0x1F];
	_ =	sdelay $0x2  }
0x42: {  	p1 =	slt.u32 s1, $0xFFFFFFFE  }
0x43: {  	s1 =	simm.s32 @!p1 $0x1  }
0x44: {  	_ =	swait.ge @!p1 [sflag:s1], $0x6000  }
0x45: {  	[sflag:s1] =	ssyncset.done @!p1 $0x0  }
0x46: {  	[sflag:s1] =	ssyncadd.s32 @!p1 $0xFFFFA000  }
0x47: {  	_ =	swait.ge @!p1 [sflag:s1], $0x6000  }
0x48: {  	p2 =	slt.s32 s24, $0x0;
	[sflag:s1] =	ssyncset.done @!p1 $0x0  }
0x49: {  	[sflag:s1] =	ssyncadd.s32 @!p1 $0xFFFFA000;
	s1 =	simm.s32 @!p2 $0x2  }
0x4a: {  	_ =	swait.ge @!p2 [sflag:s1], $0x6000  }
.Ltmp1:
0x4b: {  	[sflag:s1] =	ssyncset.done @!p2 $0x0;
	(pc) =	sbr.rel @!p0 .LBB2_19-.Ltmp1, $4  }
0x4c: {  	[sflag:s1] =	ssyncadd.s32 @!p2 $0xFFFFA000  }
0x4d: {  	_ =	swait.ge @!p2 [sflag:s1], $0x6000  }
0x4e: {  	[sflag:s1] =	ssyncset.done @!p2 $0x0  }
0x4f: {  	[sflag:s1] =	ssyncadd.s32 @!p2 $0xFFFFA000  }
.LBB2_26:
0x50: {  	s23 =	sadd.s32 $0x1, s23  }
0x51: {  	p1 =	sne.s32 s23, s11  }
.Ltmp2:
0x52: {  	_ = 	snop;
	(pc) =	sbr.rel @!p1 .LBB2_27-.Ltmp2, $1  }
0x53: {  	_ =	sdelay $0x3  }
.LBB2_1:
0x54: {  	[tilespmem:s7], [sflag:$0x3] =	stream.linear.gather [hbm4b:s2+s7], $0x100, $0x38;
	[tilespmem:$0x18780] =	vst v63  }
0x55: {  	_ =	swait.ge [sflag:s16], $0x100  }
0x56: {  	[sflag:s16] =	ssyncset.done $0x0  }
0x57: {  	[sflag:s16] =	ssyncadd.s32 $0xFFFFFF00  }
0x58: {  	[tilespmem:s17], [sflag:$0x3] =	stream.linear.gather [hbm4b:s3+s7], $0x300, $0x38;
	[tilespmem:$0x18780] =	vst v63  }
0x59: {  	_ =	swait.ge [sflag:s16], $0x300  }
0x5a: {  	[sflag:s16] =	ssyncset.done $0x0  }
0x5b: {  	[sflag:s16] =	ssyncadd.s32 $0xFFFFFD00  }
0x5c: {  	[tilespmem:s18], [sflag:$0x3] =	stream.linear.gather [hbm4b:s4+s7], $0x300, $0x38;
	[tilespmem:$0x18780] =	vst v63  }
0x5d: {  	_ =	swait.ge [sflag:s16], $0x300  }
0x5e: {  	[sflag:s16] =	ssyncset.done $0x0  }
0x5f: {  	[sflag:s16] =	ssyncadd.s32 $0xFFFFFD00  }
0x60: {  	[tilespmem:s19], [sflag:$0x3] =	stream.linear.gather [hbm4b:s5+s7], $0x10, $0x38;
	[tilespmem:$0x18780] =	vst v63  }
0x61: {  	_ =	swait.ge [sflag:s16], $0x10  }
0x62: {  	[sflag:s16] =	ssyncset.done $0x0  }
0x63: {  	s25 =	simm.s32 $0x0;
	[sflag:s16] =	ssyncadd.s32 $0xFFFFFFF0  }
0x64: {  	s24 =	simm.s32 $0x40;
	v1 =	vimm.f32 $0.0e+00;
	v2 =	vld [tilespmem:s25+$0x400]  }
.LBB2_2:
0x65: {  	p1 =	sne.s32 s24, $0xBC0  }
.Ltmp3:
0x66: {  	_ = 	snop;
	(pc) =	sbr.rel @p1 .LBB2_2-.Ltmp3, $3  }
0x67: {  	_ =	sdelay $0x1  }
0x68: {  	s25 =	sshra.s32 s24, $0x2;
	s24 =	sadd.s32 $0x40, s24;
	v1 =	vadd.f32 v2, v1  }
0x69: {  	v2 =	vld [tilespmem:s25+$0x400]  }
0x6a: {  	_ =	sdelay $0x3  }
0x6b: {  	s25 =	simm.s32 $0x4;
	s24 =	simm.s32 $0x0;
	v2 =	vadd.f32 v2, v1;
	v1 =	vld [tilespmem:$0x700]  }
.LBB2_4:
0x6c: {  	p1 =	sne.s32 s25, $0x1000  }
0x6d: {  	[smem:s24] =	sst s20;
	s24 =	smov.u32 s25;
	s25 =	sadd.s32 $0x4, s25  }
.Ltmp4:
0x6e: {  	(pc) =	sbr.rel @p1 .LBB2_4-.Ltmp4, $2  }
0x6f: {  	_ =	sdelay $0x2  }
0x70: {  	s24 =	sshra.s32 s24, $0x2  }
0x71: {  	s25 =	simm.s32 $0x0  }
0x72: {  	v4 =	vld [tilespmem:s25+$0x0];
	_ =	sdelay $0x4  }
0x73: {  	(v2sf) =	vpush v4, $0x0  }
0x74: {  	(v2sf) =	vpush v4, $0x1  }
0x75: {  	(v2sf) =	vpush v4, $0x2  }
0x76: {  	(v2sf) =	vpush v4, $0x3  }
0x77: {  	(v2sf) =	vpush v4, $0x4  }
0x78: {  	(v2sf) =	vpush v4, $0x5  }
0x79: {  	(v2sf) =	vpush v4, $0x6  }
0x7a: {  	(v2sf) =	vpush v4, $0x7  }
0x7b: {  	(v2sf) =	vpush v4, $0x8  }
0x7c: {  	(v2sf) =	vpush v4, $0x9  }
0x7d: {  	(v2sf) =	vpush v4, $0xA  }
0x7e: {  	(v2sf) =	vpush v4, $0xB  }
0x7f: {  	s31 =	simm.s32 $0x10;
	(v2sf) =	vpush v4, $0xC  }
0x80: {  	[smem:s24] =	sst s20;
	s26 =	simm.s32 $0x10;
	v3 =	vld [tilespmem:s31+$0x0];
	(v2sf) =	vpush v4, $0xD  }
0x81: {  	s24 =	simm.s32 $0x30;
	s28 =	simm.s32 $0x40;
	s29 =	simm.s32 $0x1;
	(v2sf) =	vpush v4, $0xE  }
0x82: {  	[smem:$0x0] =	sst s25;
	s25 =	simm.s32 $0x20;
	s30 =	spop (v2sf);
	(v2sf) =	vpush v4, $0xF  }
0x83: {  	[smem:s30] =	sst s29;
	s29 =	simm.s32 $0x2;
	s30 =	spop (v2sf)  }
0x84: {  	[smem:s30] =	sst s29;
	s29 =	simm.s32 $0x3;
	s30 =	spop (v2sf)  }
0x85: {  	(v2sf) =	vpush v3, $0x0;
	[smem:s30] =	sst s29;
	s29 =	simm.s32 $0x4;
	s30 =	spop (v2sf)  }
0x86: {  	(v2sf) =	vpush v3, $0x1;
	[smem:s30] =	sst s29;
	s29 =	simm.s32 $0x5;
	s30 =	spop (v2sf)  }
0x87: {  	(v2sf) =	vpush v3, $0x2;
	[smem:s30] =	sst s29;
	s29 =	simm.s32 $0x6;
	s30 =	spop (v2sf)  }
0x88: {  	(v2sf) =	vpush v3, $0x3;
	[smem:s30] =	sst s29;
	s29 =	simm.s32 $0x7;
	s30 =	spop (v2sf)  }
0x89: {  	(v2sf) =	vpush v3, $0x4;
	[smem:s30] =	sst s29;
	s29 =	simm.s32 $0x8;
	s30 =	spop (v2sf)  }
0x8a: {  	(v2sf) =	vpush v3, $0x5;
	[smem:s30] =	sst s29;
	s29 =	simm.s32 $0x9;
	s30 =	spop (v2sf)  }
0x8b: {  	(v2sf) =	vpush v3, $0x6;
	[smem:s30] =	sst s29;
	s29 =	simm.s32 $0xA;
	s30 =	spop (v2sf)  }
0x8c: {  	(v2sf) =	vpush v3, $0x7;
	[smem:s30] =	sst s29;
	s29 =	simm.s32 $0xB;
	s30 =	spop (v2sf)  }
0x8d: {  	(v2sf) =	vpush v3, $0x8;
	[smem:s30] =	sst s29;
	s29 =	simm.s32 $0xC;
	s30 =	spop (v2sf)  }
0x8e: {  	(v2sf) =	vpush v3, $0x9;
	[smem:s30] =	sst s29;
	s29 =	simm.s32 $0xD;
	s30 =	spop (v2sf)  }
0x8f: {  	(v2sf) =	vpush v3, $0xA;
	[smem:s30] =	sst s29;
	s29 =	simm.s32 $0xE;
	s30 =	spop (v2sf)  }
0x90: {  	(v2sf) =	vpush v3, $0xB;
	[smem:s30] =	sst s29;
	s30 =	simm.s32 $0xF;
	s31 =	spop (v2sf)  }
0x91: {  	(v2sf) =	vpush v3, $0xC;
	s29 =	simm.s32 $0x20;
	[smem:s31] =	sst s30;
	s30 =	spop (v2sf)  }
.LBB2_6:
0x92: {  	p1 =	seq.s32 s28, $0x100;
	[smem:s30] =	sst s26;
	s26 =	smov.u32 s25  }
0x93: {  	v4 =	vld [tilespmem:s29+$0x0];
	(v2sf) =	vpush v3, $0xD;
	s25 =	smov.u32 s24;
	s24 =	smov.u32 s28;
	s28 =	sadd.s32 $0x10, s28  }
0x94: {  	(v2sf) =	vpush v3, $0xE  }
0x95: {  	s30 =	sadd.s32 $0xFFFFFFF1, s26;
	s31 =	spop (v2sf);
	(v2sf) =	vpush v3, $0xF  }
0x96: {  	[smem:s31] =	sst s30;
	s30 =	sadd.s32 $0xFFFFFFF2, s26;
	s31 =	spop (v2sf)  }
0x97: {  	[smem:s31] =	sst s30;
	s30 =	sadd.s32 $0xFFFFFFF3, s26;
	s31 =	spop (v2sf)  }
0x98: {  	(v2sf) =	vpush v4, $0x0;
	[smem:s31] =	sst s30;
	s30 =	sadd.s32 $0xFFFFFFF4, s26;
	s31 =	spop (v2sf);
	v3 =	vmov v4  }
0x99: {  	(v2sf) =	vpush v3, $0x1;
	[smem:s31] =	sst s30;
	s30 =	sadd.s32 $0xFFFFFFF5, s26;
	s31 =	spop (v2sf)  }
0x9a: {  	(v2sf) =	vpush v3, $0x2;
	[smem:s31] =	sst s30;
	s30 =	sadd.s32 $0xFFFFFFF6, s26;
	s31 =	spop (v2sf)  }
0x9b: {  	(v2sf) =	vpush v3, $0x3;
	[smem:s31] =	sst s30;
	s30 =	sadd.s32 $0xFFFFFFF7, s26;
	s31 =	spop (v2sf)  }
0x9c: {  	(v2sf) =	vpush v3, $0x4;
	[smem:s31] =	sst s30;
	s30 =	sadd.s32 $0xFFFFFFF8, s26;
	s31 =	spop (v2sf)  }
0x9d: {  	(v2sf) =	vpush v3, $0x5;
	[smem:s31] =	sst s30;
	s30 =	sadd.s32 $0xFFFFFFF9, s26;
	s31 =	spop (v2sf)  }
0x9e: {  	(v2sf) =	vpush v3, $0x6;
	[smem:s31] =	sst s30;
	s30 =	sadd.s32 $0xFFFFFFFA, s26;
	s31 =	spop (v2sf)  }
0x9f: {  	(v2sf) =	vpush v3, $0x7;
	[smem:s31] =	sst s30;
	s30 =	sadd.s32 $0xFFFFFFFB, s26;
	s31 =	spop (v2sf)  }
0xa0: {  	[smem:s31] =	sst s30  }
.Ltmp5:
0xa1: {  	(v2sf) =	vpush v3, $0x8;
	s30 =	sadd.s32 $0xFFFFFFFC, s26;
	s31 =	spop (v2sf);
	(pc) =	sbr.rel @!p1 .LBB2_6-.Ltmp5, $4  }
0xa2: {  	(v2sf) =	vpush v3, $0x9;
	[smem:s31] =	sst s30;
	s30 =	sadd.s32 $0xFFFFFFFD, s26;
	s31 =	spop (v2sf)  }
0xa3: {  	(v2sf) =	vpush v3, $0xA;
	[smem:s31] =	sst s30;
	s30 =	sadd.s32 $0xFFFFFFFE, s26;
	s31 =	spop (v2sf)  }
0xa4: {  	(v2sf) =	vpush v3, $0xB;
	[smem:s31] =	sst s30;
	s30 =	sadd.s32 $0xFFFFFFFF, s26;
	s31 =	spop (v2sf)  }
0xa5: {  	s29 =	sadd.s32 $0x10, s29;
	(v2sf) =	vpush v3, $0xC;
	[smem:s31] =	sst s30;
	s30 =	spop (v2sf)  }
0xa6: {  	v4 =	vld [tilespmem:s29+$0x0];
	_ =	sdelay $0x1  }
0xa7: {  	(v2sf) =	vpush v3, $0xD  }
0xa8: {  	(v2sf) =	vpush v3, $0xE  }
0xa9: {  	[smem:s30] =	sst s26;
	s30 =	sadd.s32 $0xFFFFFFF1, s25;
	s28 =	spop (v2sf);
	(v2sf) =	vpush v3, $0xF  }
0xaa: {  	s31 =	sadd.s32 $0xFFFFFFF2, s25;
	[smem:s28] =	sst s30;
	s1 =	spop (v2sf);
	(v2sf) =	vpush v4, $0x0  }
0xab: {  	s6 =	sadd.s32 $0xFFFFFFF3, s25;
	[smem:s1] =	sst s31;
	s29 =	spop (v2sf);
	(v2sf) =	vpush v4, $0x1  }
0xac: {  	s30 =	sadd.s32 $0xFFFFFFF4, s25;
	[smem:s29] =	sst s6;
	s31 =	spop (v2sf);
	(v2sf) =	vpush v4, $0x2  }
0xad: {  	s1 =	sadd.s32 $0xFFFFFFF5, s25;
	[smem:s31] =	sst s30;
	s6 =	spop (v2sf);
	(v2sf) =	vpush v4, $0x3  }
0xae: {  	s29 =	sadd.s32 $0xFFFFFFF6, s25;
	[smem:s6] =	sst s1;
	s30 =	spop (v2sf);
	(v2sf) =	vpush v4, $0x4  }
0xaf: {  	s31 =	sadd.s32 $0xFFFFFFF7, s25;
	[smem:s30] =	sst s29;
	s1 =	spop (v2sf);
	(v2sf) =	vpush v4, $0x5  }
0xb0: {  	s6 =	sadd.s32 $0xFFFFFFF8, s25;
	[smem:s1] =	sst s31;
	s29 =	spop (v2sf);
	(v2sf) =	vpush v4, $0x6  }
0xb1: {  	s30 =	sadd.s32 $0xFFFFFFF9, s25;
	[smem:s29] =	sst s6;
	s31 =	spop (v2sf);
	(v2sf) =	vpush v4, $0x7  }
0xb2: {  	s1 =	sadd.s32 $0xFFFFFFFA, s25;
	[smem:s31] =	sst s30;
	s6 =	spop (v2sf);
	(v2sf) =	vpush v4, $0x8  }
0xb3: {  	s29 =	sadd.s32 $0xFFFFFFFB, s25;
	[smem:s6] =	sst s1;
	s30 =	spop (v2sf);
	(v2sf) =	vpush v4, $0x9  }
0xb4: {  	s31 =	sadd.s32 $0xFFFFFFFC, s25;
	[smem:s30] =	sst s29;
	s1 =	spop (v2sf);
	(v2sf) =	vpush v4, $0xA  }
0xb5: {  	s6 =	sadd.s32 $0xFFFFFFFD, s25;
	[smem:s1] =	sst s31;
	s29 =	spop (v2sf);
	(v2sf) =	vpush v4, $0xB  }
0xb6: {  	s30 =	sadd.s32 $0xFFFFFFFE, s25;
	[smem:s29] =	sst s6;
	s31 =	spop (v2sf);
	(v2sf) =	vpush v4, $0xC  }
0xb7: {  	s1 =	sadd.s32 $0xFFFFFFFF, s25;
	[smem:s31] =	sst s30;
	s6 =	spop (v2sf)  }
0xb8: {  	[smem:s6] =	sst s1;
	s29 =	spop (v2sf)  }
0xb9: {  	s30 =	sadd.s32 $0xFFFFFFF1, s24;
	[smem:s29] =	sst s25;
	s31 =	spop (v2sf)  }
0xba: {  	s1 =	sadd.s32 $0xFFFFFFF2, s24;
	[smem:s31] =	sst s30;
	s6 =	spop (v2sf)  }
0xbb: {  	s28 =	sadd.s32 $0xFFFFFFF3, s24;
	[smem:s6] =	sst s1;
	s29 =	spop (v2sf)  }
0xbc: {  	s30 =	sadd.s32 $0xFFFFFFF4, s24;
	[smem:s29] =	sst s28;
	s31 =	spop (v2sf)  }
0xbd: {  	s1 =	sadd.s32 $0xFFFFFFF5, s24;
	[smem:s31] =	sst s30;
	s6 =	spop (v2sf)  }
0xbe: {  	s28 =	sadd.s32 $0xFFFFFFF6, s24;
	[smem:s6] =	sst s1;
	s29 =	spop (v2sf)  }
0xbf: {  	s30 =	sadd.s32 $0xFFFFFFF7, s24;
	[smem:s29] =	sst s28;
	s31 =	spop (v2sf)  }
0xc0: {  	s1 =	sadd.s32 $0xFFFFFFF8, s24;
	[smem:s31] =	sst s30;
	s6 =	spop (v2sf)  }
0xc1: {  	s28 =	sadd.s32 $0xFFFFFFF9, s24;
	[smem:s6] =	sst s1;
	s29 =	spop (v2sf)  }
0xc2: {  	s30 =	sadd.s32 $0xFFFFFFFA, s24;
	[smem:s29] =	sst s28;
	s31 =	spop (v2sf)  }
0xc3: {  	s1 =	sadd.s32 $0xFFFFFFFB, s24;
	[smem:s31] =	sst s30;
	s6 =	spop (v2sf)  }
0xc4: {  	s28 =	sadd.s32 $0xFFFFFFFC, s24;
	[smem:s6] =	sst s1;
	s29 =	spop (v2sf)  }
0xc5: {  	(v2sf) =	vpush v4, $0xD;
	s30 =	sadd.s32 $0xFFFFFFFD, s24;
	[smem:s29] =	sst s28;
	s31 =	spop (v2sf)  }
0xc6: {  	(v2sf) =	vpush v4, $0xE;
	[smem:s31] =	sst s30;
	s30 =	simm.s32 $0x0  }
0xc7: {  	(v2sf) =	vpush v4, $0xF;
	v4 =	vld [tilespmem:s30+$0x100];
	_ =	sdelay $0x4  }
0xc8: {  	(v2sf) =	vpush v4, $0x0  }
0xc9: {  	(v2sf) =	vpush v4, $0x1  }
0xca: {  	(v2sf) =	vpush v4, $0x2  }
0xcb: {  	(v2sf) =	vpush v4, $0x3  }
0xcc: {  	(v2sf) =	vpush v4, $0x4  }
0xcd: {  	(v2sf) =	vpush v4, $0x5  }
0xce: {  	(v2sf) =	vpush v4, $0x6  }
0xcf: {  	(v2sf) =	vpush v4, $0x7  }
0xd0: {  	(v2sf) =	vpush v4, $0x8  }
0xd1: {  	(v2sf) =	vpush v4, $0x9  }
0xd2: {  	(v2sf) =	vpush v4, $0xA  }
0xd3: {  	s31 =	simm.s32 $0x10;
	(v2sf) =	vpush v4, $0xB  }
0xd4: {  	s1 =	sadd.s32 $0xFFFFFFFE, s24;
	s6 =	spop (v2sf);
	v3 =	vld [tilespmem:s31+$0x100];
	(v2sf) =	vpush v4, $0xC  }
0xd5: {  	s26 =	sadd.s32 $0xFFFFFFFF, s24;
	[smem:s6] =	sst s1;
	s28 =	spop (v2sf);
	(v2sf) =	vpush v4, $0xD  }
0xd6: {  	[smem:s28] =	sst s26;
	s29 =	spop (v2sf);
	(v2sf) =	vpush v4, $0xE  }
0xd7: {  	[smem:s29] =	sst s24;
	s1 =	spop (v2sf);
	(v2sf) =	vpush v4, $0xF  }
0xd8: {  	[smem:s1] =	sst s21;
	s6 =	spop (v2sf)  }
0xd9: {  	(v2sf) =	vpush v3, $0x0;
	[smem:s6] =	sst s21;
	s25 =	spop (v2sf)  }
0xda: {  	(v2sf) =	vpush v3, $0x1;
	[smem:s25] =	sst s21;
	s26 =	spop (v2sf)  }
0xdb: {  	(v2sf) =	vpush v3, $0x2;
	[smem:s26] =	sst s21;
	s28 =	spop (v2sf)  }
0xdc: {  	(v2sf) =	vpush v3, $0x3;
	[smem:s28] =	sst s21;
	s29 =	spop (v2sf)  }
0xdd: {  	(v2sf) =	vpush v3, $0x4;
	[smem:s29] =	sst s21;
	s30 =	spop (v2sf)  }
0xde: {  	(v2sf) =	vpush v3, $0x5;
	[smem:s30] =	sst s21;
	s31 =	spop (v2sf)  }
0xdf: {  	(v2sf) =	vpush v3, $0x6;
	[smem:s31] =	sst s21;
	s1 =	spop (v2sf)  }
0xe0: {  	(v2sf) =	vpush v3, $0x7;
	[smem:s1] =	sst s21;
	s6 =	spop (v2sf)  }
0xe1: {  	(v2sf) =	vpush v3, $0x8;
	[smem:s6] =	sst s21;
	s25 =	spop (v2sf)  }
0xe2: {  	(v2sf) =	vpush v3, $0x9;
	[smem:s25] =	sst s21;
	s26 =	spop (v2sf)  }
0xe3: {  	(v2sf) =	vpush v3, $0xA;
	[smem:s26] =	sst s21;
	s28 =	spop (v2sf)  }
0xe4: {  	(v2sf) =	vpush v3, $0xB;
	[smem:s28] =	sst s21;
	s29 =	spop (v2sf)  }
0xe5: {  	s30 =	simm.s32 $0x20;
	(v2sf) =	vpush v3, $0xC;
	[smem:s29] =	sst s21;
	s31 =	spop (v2sf)  }
0xe6: {  	s24 =	simm.s32 $0xC0;
	v4 =	vld [tilespmem:s30+$0x100];
	(v2sf) =	vpush v3, $0xD;
	[smem:s31] =	sst s21;
	s25 =	spop (v2sf)  }
.LBB2_8:
0xe7: {  	p1 =	seq.s32 s24, $0xBC0  }
0xe8: {  	(v2sf) =	vpush v3, $0xE;
	[smem:s25] =	sst s21;
	s25 =	smov.u32 s24;
	s24 =	sadd.s32 $0x40, s24  }
0xe9: {  	s26 =	spop (v2sf);
	(v2sf) =	vpush v3, $0xF  }
0xea: {  	[smem:s26] =	sst s21;
	s26 =	spop (v2sf)  }
0xeb: {  	(v2sf) =	vpush v4, $0x0;
	[smem:s26] =	sst s21;
	s26 =	spop (v2sf);
	v3 =	vmov v4  }
0xec: {  	(v2sf) =	vpush v3, $0x1;
	[smem:s26] =	sst s21;
	s26 =	spop (v2sf)  }
0xed: {  	(v2sf) =	vpush v3, $0x2;
	[smem:s26] =	sst s21;
	s26 =	spop (v2sf)  }
0xee: {  	(v2sf) =	vpush v3, $0x3;
	[smem:s26] =	sst s21;
	s26 =	spop (v2sf)  }
0xef: {  	(v2sf) =	vpush v3, $0x4;
	[smem:s26] =	sst s21;
	s26 =	spop (v2sf)  }
0xf0: {  	(v2sf) =	vpush v3, $0x5;
	[smem:s26] =	sst s21;
	s26 =	spop (v2sf)  }
0xf1: {  	(v2sf) =	vpush v3, $0x6;
	[smem:s26] =	sst s21;
	s26 =	spop (v2sf)  }
0xf2: {  	(v2sf) =	vpush v3, $0x7;
	[smem:s26] =	sst s21;
	s26 =	spop (v2sf)  }
0xf3: {  	(v2sf) =	vpush v3, $0x8;
	[smem:s26] =	sst s21;
	s26 =	spop (v2sf)  }
0xf4: {  	[smem:s26] =	sst s21  }
.Ltmp6:
0xf5: {  	(v2sf) =	vpush v3, $0x9;
	s26 =	spop (v2sf);
	(pc) =	sbr.rel @!p1 .LBB2_8-.Ltmp6, $4  }
0xf6: {  	(v2sf) =	vpush v3, $0xA;
	[smem:s26] =	sst s21;
	s26 =	spop (v2sf)  }
0xf7: {  	s25 =	sshra.s32 s25, $0x2;
	(v2sf) =	vpush v3, $0xB;
	[smem:s26] =	sst s21;
	s26 =	spop (v2sf)  }
0xf8: {  	v4 =	vld [tilespmem:s25+$0x100];
	(v2sf) =	vpush v3, $0xC;
	[smem:s26] =	sst s21;
	s25 =	spop (v2sf)  }
0xf9: {  	(v2sf) =	vpush v3, $0xD;
	[smem:s25] =	sst s21;
	s25 =	spop (v2sf)  }
0xfa: {  	_ = 	snop  }
0xfb: {  	(v2sf) =	vpush v3, $0xE  }
0xfc: {  	s24 =	spop (v2sf);
	(v2sf) =	vpush v3, $0xF  }
0xfd: {  	s30 =	spop (v2sf);
	(v2sf) =	vpush v4, $0x0  }
0xfe: {  	s31 =	spop (v2sf);
	(v2sf) =	vpush v4, $0x1  }
0xff: {  	s1 =	spop (v2sf);
	(v2sf) =	vpush v4, $0x2  }
0x100: {  	s6 =	spop (v2sf);
	(v2sf) =	vpush v4, $0x3  }
0x101: {  	[smem:s25] =	sst s21;
	s25 =	spop (v2sf);
	(v2sf) =	vpush v4, $0x4  }
0x102: {  	s26 =	spop (v2sf);
	(v2sf) =	vpush v4, $0x5  }
0x103: {  	s28 =	spop (v2sf);
	(v2sf) =	vpush v4, $0x6  }
0x104: {  	[smem:s24] =	sst s21;
	s29 =	spop (v2sf);
	(v2sf) =	vpush v4, $0x7  }
0x105: {  	[smem:s30] =	sst s21;
	s30 =	spop (v2sf);
	(v2sf) =	vpush v4, $0x8  }
0x106: {  	[smem:s31] =	sst s21;
	s31 =	spop (v2sf);
	(v2sf) =	vpush v4, $0x9  }
0x107: {  	[smem:s1] =	sst s21;
	s1 =	spop (v2sf);
	(v2sf) =	vpush v4, $0xA  }
0x108: {  	[smem:s6] =	sst s21;
	s6 =	spop (v2sf);
	(v2sf) =	vpush v4, $0xB  }
0x109: {  	[smem:s25] =	sst s21;
	s25 =	spop (v2sf);
	(v2sf) =	vpush v4, $0xC  }
0x10a: {  	[smem:s26] =	sst s21;
	s26 =	spop (v2sf);
	(v2sf) =	vpush v4, $0xD  }
0x10b: {  	[smem:s28] =	sst s21;
	s28 =	spop (v2sf);
	(v2sf) =	vpush v4, $0xE  }
0x10c: {  	[smem:s29] =	sst s21;
	s29 =	spop (v2sf)  }
0x10d: {  	[smem:s30] =	sst s21;
	s30 =	spop (v2sf)  }
0x10e: {  	[smem:s31] =	sst s21;
	s31 =	spop (v2sf)  }
0x10f: {  	[smem:s1] =	sst s21;
	s1 =	spop (v2sf)  }
0x110: {  	[smem:s6] =	sst s21;
	s6 =	spop (v2sf)  }
0x111: {  	[smem:s25] =	sst s21;
	s25 =	spop (v2sf)  }
0x112: {  	[smem:s26] =	sst s21;
	s26 =	spop (v2sf)  }
0x113: {  	[smem:s28] =	sst s21;
	s28 =	spop (v2sf)  }
0x114: {  	[smem:s29] =	sst s21;
	s29 =	spop (v2sf)  }
0x115: {  	[smem:s30] =	sst s21;
	s30 =	spop (v2sf)  }
0x116: {  	[smem:s31] =	sst s21;
	s31 =	spop (v2sf)  }
0x117: {  	[smem:s1] =	sst s21;
	s1 =	spop (v2sf)  }
0x118: {  	[smem:s6] =	sst s21;
	s6 =	spop (v2sf)  }
0x119: {  	(v2sf) =	vpush v4, $0xF;
	[smem:s25] =	sst s21;
	s25 =	spop (v2sf)  }
0x11a: {  	[smem:s26] =	sst s21;
	s26 =	spop (v2sf);
	(v2sf) =	vpush v2, $0x0  }
0x11b: {  	(v2sf) =	vpush v2, $0x1;
	_ =	sdelay $0x1  }
0x11c: {  	(v2sf) =	vpush v2, $0x2;
	_ =	sdelay $0x1  }
0x11d: {  	(v2sf) =	vpush v2, $0x3;
	_ =	sdelay $0x1  }
0x11e: {  	(v2sf) =	vpush v2, $0x4;
	_ =	sdelay $0x1  }
0x11f: {  	(v2sf) =	vpush v2, $0x5;
	_ =	sdelay $0x1  }
0x120: {  	(v2sf) =	vpush v2, $0x6;
	_ =	sdelay $0x1  }
0x121: {  	[smem:s28] =	sst s21;
	(v2sf) =	vpush v2, $0x7  }
0x122: {  	[smem:s29] =	sst s21;
	s28 =	spop (v2sf)  }
0x123: {  	[smem:s30] =	sst s21;
	s29 =	spop (v2sf);
	(v2sf) =	vpush v2, $0x8  }
0x124: {  	[smem:s31] =	sst s21;
	s30 =	spop (v2sf)  }
0x125: {  	(v2sf) =	vpush v2, $0x9;
	s24 =	sadd.f32 s30, s29  }
0x126: {  	[smem:s1] =	sst s21;
	s31 =	spop (v2sf)  }
0x127: {  	(v2sf) =	vpush v2, $0xA;
	s24 =	sadd.f32 s24, s31  }
0x128: {  	[smem:s6] =	sst s21;
	s1 =	spop (v2sf)  }
0x129: {  	(v2sf) =	vpush v2, $0xB;
	s24 =	sadd.f32 s24, s1  }
0x12a: {  	[smem:s25] =	sst s21;
	s6 =	spop (v2sf)  }
0x12b: {  	(v2sf) =	vpush v2, $0xC;
	s24 =	sadd.f32 s24, s6  }
0x12c: {  	[smem:s26] =	sst s21;
	s26 =	spop (v2sf)  }
0x12d: {  	(v2sf) =	vpush v2, $0xD;
	s24 =	sadd.f32 s24, s26  }
0x12e: {  	[smem:s28] =	sst s21;
	s28 =	spop (v2sf)  }
0x12f: {  	(v2sf) =	vpush v2, $0xE;
	s24 =	sadd.f32 s24, s28  }
0x130: {  	s29 =	spop (v2sf)  }
0x131: {  	(v2sf) =	vpush v2, $0xF;
	s24 =	sadd.f32 s24, s29  }
0x132: {  	s30 =	spop (v2sf)  }
0x133: {  	s24 =	sadd.f32 s24, s30  }
0x134: {  	s31 =	spop (v2sf)  }
0x135: {  	(v2sf) =	vpush v1, $0x0;
	s24 =	sadd.f32 s24, s31  }
0x136: {  	s1 =	spop (v2sf)  }
0x137: {  	s24 =	sadd.f32 s24, s1  }
0x138: {  	s6 =	spop (v2sf)  }
0x139: {  	s24 =	sadd.f32 s24, s6  }
0x13a: {  	s26 =	spop (v2sf)  }
0x13b: {  	s24 =	sadd.f32 s24, s26  }
0x13c: {  	s28 =	spop (v2sf)  }
0x13d: {  	s24 =	sadd.f32 s24, s28  }
0x13e: {  	s29 =	spop (v2sf)  }
0x13f: {  	s24 =	sadd.f32 s24, s29  }
0x140: {  	s30 =	spop (v2sf)  }
0x141: {  	s24 =	sadd.f32 s24, s30;
	_ =	sdelay $0x1  }
0x142: {  	s24 =	smul.f32 $4.980392160e-01, s24  }
0x143: {  	s31 =	spop (v2sf)  }
0x144: {  	s24 =	sadd.f32 s31, s24;
	_ =	sdelay $0x1  }
0x145: {  	s25 =	simm.s32 $0x0;
	v1 =	vmov s24;
	s24 =	simm.s32 $0x0  }
.LBB2_10:
0x146: {  	s26 =	sshrl.u32 s25, $0x3  }
0x147: {  	s28 =	sshll.u32 s25, $0x7;
	s26 =	smul.u32 $0x1800, s26  }
0x148: {  	s28 =	sand.u32 $0x380, s28  }
0x149: {  	s26 =	sor.u32 s28, s26;
	s28 =	sand.u32 $0x1C00, s24  }
0x14a: {  	s29 =	sand.u32 $0x70, s24;
	s30 =	sadd.s32 s26, s28  }
0x14b: {  	s28 =	simm.s32 $0x10;
	s30 =	sor.u32 s29, s30;
	s29 =	simm.s32 $0x0  }
.LBB2_11:
0x14c: {  	p1 =	sne.s32 s28, $0x2F0  }
0x14d: {  	[tilespmem:s30+$0x780] =	vst v1;
	s29 =	sadd.s32 $0x80, s29;
	s31 =	smov.u32 s28;
	s28 =	sadd.s32 $0x10, s28  }
.Ltmp7:
0x14e: {  	[tilespmem:s30+$0x6780] =	vst v0;
	(pc) =	sbr.rel @p1 .LBB2_11-.Ltmp7, $4  }
0x14f: {  	_ = 	snop  }
0x150: {  	s30 =	sand.u32 $0x1C00, s29  }
0x151: {  	s31 =	sand.u32 $0x70, s31;
	s30 =	sadd.s32 s26, s30  }
0x152: {  	s30 =	sor.u32 s31, s30  }
0x153: {  	s25 =	sadd.s32 $0x1, s25  }
0x154: {  	p1 =	sne.s32 s25, $0x20  }
.Ltmp8:
0x155: {  	_ = 	snop;
	(pc) =	sbr.rel @p1 .LBB2_10-.Ltmp8, $3  }
0x156: {  	_ =	sdelay $0x1  }
0x157: {  	[tilespmem:s30+$0x780] =	vst v1  }
0x158: {  	[tilespmem:s30+$0x6780] =	vst v0  }
.Ltmp9:
0x159: {  	(pc) =	sbr.rel .LBB2_14-.Ltmp9, $3  }
0x15a: {  	_ =	sdelay $0x1  }
0x15b: {  	s25 =	simm.s32 $0x0;
	s24 =	simm.s32 $0xFFFFFFFF  }
0x15c: {  	s26 =	smov.u32 s15;
	s28 =	smov.u32 s14;
	s29 =	smov.u32 s13  }
.LBB2_16:
0x15d: {  	[hbm4b:s28+s7] =	stream.linear.scatter [tilespmem:s22], [sflag:$0x1], $0x6000, $0x38;
	[tilespmem:$0x18780] =	vst v63  }
0x15e: {  	_ = 	snop  }
0x15f: {  	[hbm4b:s29+s7] =	stream.linear.scatter [tilespmem:s22], [sflag:$0x1], $0x6000, $0x38;
	[tilespmem:$0x18780] =	vst v63  }
.LBB2_17:
0x160: {  	s25 =	sadd.s32 $0x1, s25  }
0x161: {  	p1 =	sne.s32 s25, $0x20  }
.Ltmp10:
0x162: {  	_ = 	snop;
	(pc) =	sbr.rel @!p1 .LBB2_18-.Ltmp10, $2  }
0x163: {  	_ =	sdelay $0x2  }
0x164: {  	s29 =	sadd.s32 $0x1800, s29;
	s28 =	sadd.s32 $0x1800, s28;
	s26 =	sadd.s32 $0x1, s26  }
.LBB2_14:
0x165: {  	p1 =	slt.u32 s25, $0x6  }
0x166: {  	s30 =	sld @!p1 [smem:s26+$0xFFFFFFFA];
	_ =	sdelay $0x2  }
0x167: {  	p2 =	slt.u32 @!p1 s30, $0xFFFFFFFE;
	s30 =	sld [smem:s26+$0x0]  }
0x168: {  	p1 =	por p2, p1  }
0x169: {  	s31 =	simm.s32 @!p1 $0x1  }
0x16a: {  	_ =	swait.ge @!p1 [sflag:s31], $0x6000;
	p2 =	seq.s32 s30, $0xFFFFFFFF  }
.Ltmp11:
0x16b: {  	[sflag:s31] =	ssyncset.done @!p1 $0x0;
	(pc) =	sbr.rel @p2 .LBB2_16-.Ltmp11, $4  }
0x16c: {  	[sflag:s31] =	ssyncadd.s32 @!p1 $0xFFFFA000  }
0x16d: {  	_ =	swait.ge @!p1 [sflag:s31], $0x6000  }
0x16e: {  	[sflag:s31] =	ssyncset.done @!p1 $0x0  }
0x16f: {  	[sflag:s31] =	ssyncadd.s32 @!p1 $0xFFFFA000  }
0x170: {  	p1 =	sne.s32 s30, $0xFFFFFFFE  }
0x171: {  	p2 =	slt.s32 @p1 s30, $0x0  }
0x172: {  	p3 =	por p2, !p1  }
0x173: {  	p4 =	slt.s32 @!p3 s24, $0x0  }
0x174: {  	p4 =	por @p1 p4, p2  }
0x175: {  	p4 =	por p4, !p1  }
0x176: {  	s31 =	simm.s32 @!p4 $0x2  }
0x177: {  	_ =	swait.ge @!p4 [sflag:s31], $0x6000  }
0x178: {  	[sflag:s31] =	ssyncset.done @!p4 $0x0  }
0x179: {  	s30 =	smul.u32 @!p3 $0xC000, s30;
	[sflag:s31] =	ssyncadd.s32 @!p4 $0xFFFFA000  }
0x17a: {  	_ =	swait.ge @!p4 [sflag:s31], $0x6000  }
0x17b: {  	s1 =	simm.s32 @!p3 $0xC780;
	s30 =	sshrl.u32 @!p3 s30, $0x3;
	[sflag:s31] =	ssyncset.done @!p4 $0x0  }
0x17c: {  	s30 =	sadd.s32 @!p3 s0, s30;
	[sflag:s31] =	ssyncadd.s32 @!p4 $0xFFFFA000;
	s31 =	simm.s32 @!p3 $0x0  }
0x17d: {  	[tilespmem:s1], [sflag:$0x2] =	stream.linear.gather @!p3 [hbm4b:s30+s31], $0x6000, $0x38;
	[tilespmem:$0x18780] =	vst v63  }
0x17e: {  	s6 =	simm.s32 @!p3 $0x12780;
	s30 =	sadd.s32 @!p3 $0xC00, s30  }
0x17f: {  	[tilespmem:s6], [sflag:$0x2] =	stream.linear.gather @!p3 [hbm4b:s30+s31], $0x6000, $0x38;
	[tilespmem:$0x18780] =	vst v63  }
0x180: {  	s30 =	simm.s32 @!p3 $0x2  }
0x181: {  	_ =	swait.ge @!p3 [sflag:s30], $0x6000  }
0x182: {  	[sflag:s30] =	ssyncset.done @!p3 $0x0  }
0x183: {  	[sflag:s30] =	ssyncadd.s32 @!p3 $0xFFFFA000  }
0x184: {  	_ =	swait.ge @!p3 [sflag:s30], $0x6000  }
0x185: {  	[sflag:s30] =	ssyncset.done @!p3 $0x0  }
0x186: {  	[sflag:s30] =	ssyncadd.s32 @!p3 $0xFFFFA000  }
0x187: {  	[hbm4b:s28+s31] =	stream.linear.scatter @!p3 [tilespmem:s1], [sflag:$0x2], $0x6000, $0x38;
	[tilespmem:$0x18780] =	vst v63  }
0x188: {  	p2 =	por !p2, !p1  }
0x189: {  	[hbm4b:s29+s31] =	stream.linear.scatter @!p3 [tilespmem:s6], [sflag:$0x2], $0x6000, $0x38;
	[tilespmem:$0x18780] =	vst v63  }
.Ltmp12:
0x18a: {  	s30 =	sadd.s32 s25, s12;
	s31 =	smov.u32 s24;
	(pc) =	sbr.rel .LBB2_17-.Ltmp12, $4  }
0x18b: {  	s1 =	simm.s32 @!p1 $0x0;
	s6 =	simm.s32 @!p1 $0x780;
	s31 =	smov.u32 @p2 s30  }
0x18c: {  	[hbm4b:s28+s1] =	stream.linear.scatter @!p1 [tilespmem:s6], [sflag:$0x1], $0x6000, $0x38;
	[tilespmem:$0x18780] =	vst v63  }
0x18d: {  	s24 =	smov.u32 @p1 s31  }
0x18e: {  	[hbm4b:s29+s1] =	stream.linear.scatter @!p1 [tilespmem:s6], [sflag:$0x1], $0x6000, $0x38;
	[tilespmem:$0x18780] =	vst v63  }
.LBB2_19:
0x18f: {  	s24 =	sld [smem:$0x400];
	_ =	sdelay $0x2  }
0x190: {  	p1 =	seq.s32 s24, $0xFFFFFFFE  }
.Ltmp13:
0x191: {  	_ = 	snop;
	(pc) =	sbr.rel @p1 .LBB2_20-.Ltmp13, $1  }
0x192: {  	_ =	sdelay $0x3  }
0x193: {  	p1 =	sne.s32 s24, $0xFFFFFFFF  }
.Ltmp14:
0x194: {  	_ = 	snop;
	(pc) =	sbr.rel @p1 .LBB2_23-.Ltmp14, $1  }
0x195: {  	_ =	sdelay $0x3  }
.Ltmp15:
0x196: {  	(pc) =	sbr.rel .LBB2_25-.Ltmp15, $2  }
0x197: {  	_ =	sdelay $0x2  }
0x198: {  	s24 =	simm.s32 $0x6780;
	s25 =	simm.s32 $0x6780  }
.LBB2_20:
.Ltmp16:
0x199: {  	(pc) =	sbr.rel .LBB2_25-.Ltmp16, $2  }
0x19a: {  	_ =	sdelay $0x2  }
0x19b: {  	s24 =	simm.s32 $0x780;
	s25 =	simm.s32 $0x780  }
.LBB2_23:
0x19c: {  	p1 =	slt.s32 s24, $0x0  }
.Ltmp17:
0x19d: {  	_ = 	snop;
	(pc) =	sbr.rel @p1 .LBB2_26-.Ltmp17, $1  }
0x19e: {  	_ =	sdelay $0x3  }
0x19f: {  	s1 =	smul.u32 $0xC000, s24;
	_ =	sdelay $0x1  }
0x1a0: {  	s1 =	sshrl.u32 s1, $0x3  }
0x1a1: {  	s24 =	simm.s32 $0xC780;
	s1 =	sadd.s32 s0, s1  }
0x1a2: {  	[tilespmem:s24], [sflag:$0x3] =	stream.linear.gather [hbm4b:s1+s7], $0x6000, $0x38;
	[tilespmem:$0x18780] =	vst v63  }
0x1a3: {  	_ =	swait.ge [sflag:s16], $0x6000  }
0x1a4: {  	[sflag:s16] =	ssyncset.done $0x0  }
0x1a5: {  	s25 =	simm.s32 $0x12780;
	s1 =	sadd.s32 $0xC00, s1;
	[sflag:s16] =	ssyncadd.s32 $0xFFFFA000  }
0x1a6: {  	[tilespmem:s25], [sflag:$0x3] =	stream.linear.gather [hbm4b:s1+s7], $0x6000, $0x38;
	[tilespmem:$0x18780] =	vst v63  }
0x1a7: {  	_ =	swait.ge [sflag:s16], $0x6000  }
0x1a8: {  	[sflag:s16] =	ssyncset.done $0x0  }
0x1a9: {  	[sflag:s16] =	ssyncadd.s32 $0xFFFFA000  }
.LBB2_25:
0x1aa: {  	[hbm4b:s9+s7] =	stream.linear.scatter [tilespmem:s24], [sflag:$0x3], $0x6000, $0x38;
	[tilespmem:$0x18780] =	vst v63  }
0x1ab: {  	_ =	swait.ge [sflag:s16], $0x6000  }
0x1ac: {  	[sflag:s16] =	ssyncset.done $0x0  }
.Ltmp18:
0x1ad: {  	[sflag:s16] =	ssyncadd.s32 $0xFFFFA000;
	(pc) =	sbr.rel .LBB2_26-.Ltmp18, $4  }
0x1ae: {  	[hbm4b:s10+s7] =	stream.linear.scatter [tilespmem:s25], [sflag:$0x3], $0x6000, $0x38;
	[tilespmem:$0x18780] =	vst v63  }
0x1af: {  	_ =	swait.ge [sflag:s16], $0x6000  }
0x1b0: {  	[sflag:s16] =	ssyncset.done $0x0  }
0x1b1: {  	[sflag:s16] =	ssyncadd.s32 $0xFFFFA000  }
.LBB2_27:
0x1b2: {  	_ =	sfence.sel $0x180000  }
0x1b3: {  	[bflag:$0x0] =	sbarrier.arrive $0xFFFF  }
0x1b4: {  	_ =	strace $0x90000047  }
0x1b5: {  	s0 =	stileid.u32;
	[bflag:$0x2] =	sbarrier.arrive $0xFFFF  }
0x1b6: {  	p0 =	sne.s32 s0, $0x0;
	s0 =	rddreg [dreg:$0x6]  }
0x1b7: {  	s0 =	sadd.s32 @!p0 $0x100000, s0  }
0x1b8: {  	[sflag:s0] =	ssyncadd.tile.s32 @!p0 $0x1;
	_ =	shalt  }
.Lfunc_end2:
_tile_overlayer_lowered:
.L_overlay_start_2:
0x1b9: {  	(tag) =	ssettag $0x2  }
0x1ba: {  	s0 =	rddreg [dreg:$0x0];
	s2 =	stileid.u32  }
0x1bb: {  	s1 =	rddreg [dreg:$0x1];
	p0 =	sne.s32 s2, $0x0  }
0x1bc: {  	s3 =	rddreg [dreg:$0x2];
	[bflag:$0x3] =	sbarrier.arrive $0xFFFF;
	s2 =	simm.s32 @!p0 $0x1C03  }
0x1bd: {  	[timem:s3], [sflag:s2] =	dma.local @!p0 [hbm:s0], s1  }
0x1be: {  	s0 =	simm.s32 @!p0 $0x3  }
0x1bf: {  	_ =	swait.ge @!p0 [sflag:s0], s1  }
0x1c0: {  	s1 =	ssub.s32 @!p0 $0x0, s1;
	[sflag:s0] =	ssyncset.done @!p0 $0x0  }
0x1c1: {  	[sflag:s0] =	ssyncadd.s32 @!p0 s1  }
0x1c2: {  	[bflag:$0x3] =	sbarrier.arrive $0xFFFF  }
0x1c3: {  	_ =	shalt  }

</sc_bundles>
